<compile_context>
chip_gen: v7x
topology: tpu7x:2x2x1
jax: 0.10.2.dev20260603
libtpu: 0.0.44.dev20260713+nightly
codegen_flags: <defaults>
</compile_context>

<pallas_src>
import functools

import jax
import jax.numpy as jnp
from jax import lax
from jax.experimental import pallas as pl
from jax.experimental.pallas import tpu as pltpu
from jax.experimental.pallas import tpu_sc as plsc

NC = 2
NS = 16
NW = NC * NS

N = 100000
D = 64
C = 125
NCHUNK = 25
BPW = C * NCHUNK
NB = 5

_mesh = plsc.VectorSubcoreMesh(
    core_axis_name="c", subcore_axis_name="s", num_cores=NC, num_subcores=NS
)


@functools.partial(
    pl.kernel,
    out_type=jax.ShapeDtypeStruct((N, D), jnp.float32),
    mesh=_mesh,
    compiler_params=pltpu.CompilerParams(use_tc_tiling_on_sc=False),
    scratch_types=[
        pltpu.VMEM((NCHUNK, C), jnp.int32),
        [pltpu.VMEM((C, D), jnp.float32) for _ in range(NB)],
        [pltpu.SemaphoreType.DMA for _ in range(NB)],
        [pltpu.SemaphoreType.DMA for _ in range(NB)],
    ],
)
def _gather_kernel(idx_hbm, table_hbm, out_hbm, idx_v, rows, gsems, ssems):
    wid = lax.axis_index("s") * NC + lax.axis_index("c")
    base = wid * BPW
    pltpu.sync_copy(idx_hbm.at[wid], idx_v)

    def gather(j, b):
        return pltpu.make_async_copy(table_hbm.at[idx_v.at[j]], rows[b], gsems[b])

    def store(j, b):
        return pltpu.make_async_copy(
            rows[b], out_hbm.at[pl.ds(base + j * C, C)], ssems[b]
        )

    for b in range(NB):
        gather(b, b).start()

    for j in range(NCHUNK):
        b = j % NB
        gather(j, b).wait()
        store(j, b).start()
        if j + NB < NCHUNK:
            store(j, b).wait()
            gather(j + NB, b).start()

    for j in range(NCHUNK - NB, NCHUNK):
        store(j, j % NB).wait()


def kernel(x, table):
    idx = x.reshape(NW, NCHUNK, C)
    return _gather_kernel(idx, jnp.pad(table, ((0, 1), (0, 0))))

# --- scband reference (transcript-rebuilt; emitter-appended) ---
"""Pipeline reference for scband-graph-embedding-61770219651496 (READ-ONLY COPY).

The authoritative reference and input builder live on the scoring server;
editing this copy changes nothing except your own understanding.
"""

import jax, jax.numpy as jnp
import numpy as np

NUM_ENTITIES = 1000000
EMB_DIM = 64
N_NODES = 100000

def setup_inputs(seed: int = 0) -> dict:
    key = jax.random.key(seed)
    k1, k2 = jax.random.split(key)
    # node entity ids; shape [N, 1] so the squeeze(-2) in forward is faithful
    x = jax.random.randint(k1, (N_NODES, 1), 0, NUM_ENTITIES + 1, dtype=jnp.int32)
    # learned embedding table, (num_entities + 1, emb_dim), padding_idx=0 row zeroed
    table = jax.random.normal(k2, (NUM_ENTITIES + 1, EMB_DIM), dtype=jnp.float32)
    table = table.at[0].set(0.0)
    return {"x": x, "table": table}

def reference(x, table):
    # graph_embedding.forward: entity_emb(g_batch.x).squeeze(-2)
    emb = jnp.take(table, x, axis=0)          # [N, 1, D] gather (SparseCore embedding lookup)
    out = jnp.squeeze(emb, axis=-2)           # [N, D]
    return out

if __name__ == "__main__":
    import jax
    _d = setup_inputs()
    print(jax.jit(kernel)(*tuple(_d.values())))

</pallas_src>

<mosaic_0001>
#map = affine_map<(d0, d1) -> (0, 0, 0)>
#map1 = affine_map<(d0, d1) -> (0, 0)>
module attributes {stable_mosaic.version = 14 : i64} {
  func.func @_gather_kernel(%arg0: i32, %arg1: i32, %arg2: memref<32x25x125xi32, #tpu.memory_space<hbm>>, %arg3: memref<1000002x64xf32, #tpu.memory_space<hbm>>, %arg4: memref<100000x64xf32, #tpu.memory_space<hbm>>, %arg5: memref<25x125xi32, #tpu.memory_space<vmem>>, %arg6: memref<125x64xf32, #tpu.memory_space<vmem>>, %arg7: memref<125x64xf32, #tpu.memory_space<vmem>>, %arg8: memref<125x64xf32, #tpu.memory_space<vmem>>, %arg9: memref<125x64xf32, #tpu.memory_space<vmem>>, %arg10: memref<125x64xf32, #tpu.memory_space<vmem>>, %arg11: memref<!tpu.dma_semaphore, #tpu.memory_space<semaphore_mem>>, %arg12: memref<!tpu.dma_semaphore, #tpu.memory_space<semaphore_mem>>, %arg13: memref<!tpu.dma_semaphore, #tpu.memory_space<semaphore_mem>>, %arg14: memref<!tpu.dma_semaphore, #tpu.memory_space<semaphore_mem>>, %arg15: memref<!tpu.dma_semaphore, #tpu.memory_space<semaphore_mem>>, %arg16: memref<!tpu.dma_semaphore, #tpu.memory_space<semaphore_mem>>, %arg17: memref<!tpu.dma_semaphore, #tpu.memory_space<semaphore_mem>>, %arg18: memref<!tpu.dma_semaphore, #tpu.memory_space<semaphore_mem>>, %arg19: memref<!tpu.dma_semaphore, #tpu.memory_space<semaphore_mem>>, %arg20: memref<!tpu.dma_semaphore, #tpu.memory_space<semaphore_mem>>) attributes {dimension_semantics = [#tpu.dimension_semantics<core_parallel>, #tpu.dimension_semantics<subcore_parallel>], iteration_bounds = array<i64: 2, 16>, scalar_prefetch = 0 : i64, scratch_operands = 16 : i64, tpu.core_type = #tpu.core_type<sc_vector_subcore>, window_params = [{transform_indices = #map}, {transform_indices = #map1}, {transform_indices = #map1}]} {
    %mul3A = arith.constant 2 : i32
    %mul3A_0 = arith.muli %arg1, %mul3A : i32
    %add3A = arith.addi %mul3A_0, %arg0 : i32
    %mul3A_1 = arith.constant 3125 : i32
    %mul3A_2 = arith.muli %add3A, %mul3A_1 : i32
    "tpu.region"() ({
      %run_scoped3A = tpu.sem_alloc : memref<!tpu.dma_semaphore, #tpu.memory_space<semaphore_mem>>
      %dma_start3A_651 = arith.constant 0 : i32
      %dma_start3A_652 = arith.constant 0 : i32
      %dma_start3A_653 = tpu.memref_slice %arg2[%add3A, %dma_start3A_651, %dma_start3A_652] : memref<32x25x125xi32, #tpu.memory_space<hbm>> -> memref<1x25x125xi32, #tpu.memory_space<hbm>>
      %dma_start3A_654 = tpu.memref_squeeze %dma_start3A_653 : memref<1x25x125xi32, #tpu.memory_space<hbm>> -> memref<25x125xi32, #tpu.memory_space<hbm>>
      %dma_start3A_655 = arith.constant 0 : i32
      %dma_start3A_656 = arith.constant 0 : i32
      %dma_start3A_657 = tpu.memref_slice %arg2[%add3A, %dma_start3A_655, %dma_start3A_656] : memref<32x25x125xi32, #tpu.memory_space<hbm>> -> memref<1x25x125xi32, #tpu.memory_space<hbm>>
      %dma_start3A_658 = tpu.memref_squeeze %dma_start3A_657 : memref<1x25x125xi32, #tpu.memory_space<hbm>> -> memref<25x125xi32, #tpu.memory_space<hbm>>
      tpu.enqueue_dma source(%dma_start3A_658 : memref<25x125xi32, #tpu.memory_space<hbm>>) target(%arg5 : memref<25x125xi32, #tpu.memory_space<vmem>>) target_semaphore(%run_scoped3A : memref<!tpu.dma_semaphore, #tpu.memory_space<semaphore_mem>>)
      %dma_wait3A_659 = arith.constant 0 : i32
      %dma_wait3A_660 = arith.constant 0 : i32
      %dma_wait3A_661 = tpu.memref_slice %arg2[%add3A, %dma_wait3A_659, %dma_wait3A_660] : memref<32x25x125xi32, #tpu.memory_space<hbm>> -> memref<1x25x125xi32, #tpu.memory_space<hbm>>
      %dma_wait3A_662 = tpu.memref_squeeze %dma_wait3A_661 : memref<1x25x125xi32, #tpu.memory_space<hbm>> -> memref<25x125xi32, #tpu.memory_space<hbm>>
      %dma_wait3A_663 = arith.constant 0 : i32
      %dma_wait3A_664 = arith.constant 0 : i32
      %dma_wait3A_665 = tpu.memref_slice %arg2[%add3A, %dma_wait3A_663, %dma_wait3A_664] : memref<32x25x125xi32, #tpu.memory_space<hbm>> -> memref<1x25x125xi32, #tpu.memory_space<hbm>>
      %dma_wait3A_666 = tpu.memref_squeeze %dma_wait3A_665 : memref<1x25x125xi32, #tpu.memory_space<hbm>> -> memref<25x125xi32, #tpu.memory_space<hbm>>
      tpu.wait_dma2 semaphore(%run_scoped3A : memref<!tpu.dma_semaphore, #tpu.memory_space<semaphore_mem>>) src(%dma_wait3A_666 : memref<25x125xi32, #tpu.memory_space<hbm>>) dst(%arg5 : memref<25x125xi32, #tpu.memory_space<vmem>>)
      tpu.yield
    }) : () -> ()
    %dma_start3A = arith.constant 0 : i32
    %dma_start3A_3 = arith.constant 0 : i32
    %dma_start3A_4 = tpu.memref_slice %arg5[%dma_start3A, %dma_start3A_3] : memref<25x125xi32, #tpu.memory_space<vmem>> -> memref<1x125xi32, #tpu.memory_space<vmem>>
    %dma_start3A_5 = tpu.memref_squeeze %dma_start3A_4 : memref<1x125xi32, #tpu.memory_space<vmem>> -> memref<125xi32, #tpu.memory_space<vmem>>
    %dma_start3A_6 = arith.constant 0 : i32
    %dma_start3A_7 = arith.constant 0 : i32
    %dma_start3A_8 = tpu.memref_slice %arg3[%dma_start3A_6, %dma_start3A_7] : memref<1000002x64xf32, #tpu.memory_space<hbm>> -> memref<1000002x64xf32, #tpu.memory_space<hbm>>
    tpu.enqueue_indirect_dma source(%dma_start3A_8 : memref<1000002x64xf32, #tpu.memory_space<hbm>>) target(%arg6 : memref<125x64xf32, #tpu.memory_space<vmem>>) offsets(%dma_start3A_5 : memref<125xi32, #tpu.memory_space<vmem>>) semaphore(%arg11 : memref<!tpu.dma_semaphore, #tpu.memory_space<semaphore_mem>>)
    %dma_start3A_9 = arith.constant 1 : i32
    %dma_start3A_10 = arith.constant 0 : i32
    %dma_start3A_11 = tpu.memref_slice %arg5[%dma_start3A_9, %dma_start3A_10] : memref<25x125xi32, #tpu.memory_space<vmem>> -> memref<1x125xi32, #tpu.memory_space<vmem>>
    %dma_start3A_12 = tpu.memref_squeeze %dma_start3A_11 : memref<1x125xi32, #tpu.memory_space<vmem>> -> memref<125xi32, #tpu.memory_space<vmem>>
    %dma_start3A_13 = arith.constant 0 : i32
    %dma_start3A_14 = arith.constant 0 : i32
    %dma_start3A_15 = tpu.memref_slice %arg3[%dma_start3A_13, %dma_start3A_14] : memref<1000002x64xf32, #tpu.memory_space<hbm>> -> memref<1000002x64xf32, #tpu.memory_space<hbm>>
    tpu.enqueue_indirect_dma source(%dma_start3A_15 : memref<1000002x64xf32, #tpu.memory_space<hbm>>) target(%arg7 : memref<125x64xf32, #tpu.memory_space<vmem>>) offsets(%dma_start3A_12 : memref<125xi32, #tpu.memory_space<vmem>>) semaphore(%arg12 : memref<!tpu.dma_semaphore, #tpu.memory_space<semaphore_mem>>)
    %dma_start3A_16 = arith.constant 2 : i32
    %dma_start3A_17 = arith.constant 0 : i32
    %dma_start3A_18 = tpu.memref_slice %arg5[%dma_start3A_16, %dma_start3A_17] : memref<25x125xi32, #tpu.memory_space<vmem>> -> memref<1x125xi32, #tpu.memory_space<vmem>>
    %dma_start3A_19 = tpu.memref_squeeze %dma_start3A_18 : memref<1x125xi32, #tpu.memory_space<vmem>> -> memref<125xi32, #tpu.memory_space<vmem>>
    %dma_start3A_20 = arith.constant 0 : i32
    %dma_start3A_21 = arith.constant 0 : i32
    %dma_start3A_22 = tpu.memref_slice %arg3[%dma_start3A_20, %dma_start3A_21] : memref<1000002x64xf32, #tpu.memory_space<hbm>> -> memref<1000002x64xf32, #tpu.memory_space<hbm>>
    tpu.enqueue_indirect_dma source(%dma_start3A_22 : memref<1000002x64xf32, #tpu.memory_space<hbm>>) target(%arg8 : memref<125x64xf32, #tpu.memory_space<vmem>>) offsets(%dma_start3A_19 : memref<125xi32, #tpu.memory_space<vmem>>) semaphore(%arg13 : memref<!tpu.dma_semaphore, #tpu.memory_space<semaphore_mem>>)
    %dma_start3A_23 = arith.constant 3 : i32
    %dma_start3A_24 = arith.constant 0 : i32
    %dma_start3A_25 = tpu.memref_slice %arg5[%dma_start3A_23, %dma_start3A_24] : memref<25x125xi32, #tpu.memory_space<vmem>> -> memref<1x125xi32, #tpu.memory_space<vmem>>
    %dma_start3A_26 = tpu.memref_squeeze %dma_start3A_25 : memref<1x125xi32, #tpu.memory_space<vmem>> -> memref<125xi32, #tpu.memory_space<vmem>>
    %dma_start3A_27 = arith.constant 0 : i32
    %dma_start3A_28 = arith.constant 0 : i32
    %dma_start3A_29 = tpu.memref_slice %arg3[%dma_start3A_27, %dma_start3A_28] : memref<1000002x64xf32, #tpu.memory_space<hbm>> -> memref<1000002x64xf32, #tpu.memory_space<hbm>>
    tpu.enqueue_indirect_dma source(%dma_start3A_29 : memref<1000002x64xf32, #tpu.memory_space<hbm>>) target(%arg9 : memref<125x64xf32, #tpu.memory_space<vmem>>) offsets(%dma_start3A_26 : memref<125xi32, #tpu.memory_space<vmem>>) semaphore(%arg14 : memref<!tpu.dma_semaphore, #tpu.memory_space<semaphore_mem>>)
    %dma_start3A_30 = arith.constant 4 : i32
    %dma_start3A_31 = arith.constant 0 : i32
    %dma_start3A_32 = tpu.memref_slice %arg5[%dma_start3A_30, %dma_start3A_31] : memref<25x125xi32, #tpu.memory_space<vmem>> -> memref<1x125xi32, #tpu.memory_space<vmem>>
    %dma_start3A_33 = tpu.memref_squeeze %dma_start3A_32 : memref<1x125xi32, #tpu.memory_space<vmem>> -> memref<125xi32, #tpu.memory_space<vmem>>
    %dma_start3A_34 = arith.constant 0 : i32
    %dma_start3A_35 = arith.constant 0 : i32
    %dma_start3A_36 = tpu.memref_slice %arg3[%dma_start3A_34, %dma_start3A_35] : memref<1000002x64xf32, #tpu.memory_space<hbm>> -> memref<1000002x64xf32, #tpu.memory_space<hbm>>
    tpu.enqueue_indirect_dma source(%dma_start3A_36 : memref<1000002x64xf32, #tpu.memory_space<hbm>>) target(%arg10 : memref<125x64xf32, #tpu.memory_space<vmem>>) offsets(%dma_start3A_33 : memref<125xi32, #tpu.memory_space<vmem>>) semaphore(%arg15 : memref<!tpu.dma_semaphore, #tpu.memory_space<semaphore_mem>>)
    %dma_wait3A = arith.constant 0 : i32
    %dma_wait3A_37 = arith.constant 0 : i32
    %dma_wait3A_38 = tpu.memref_slice %arg5[%dma_wait3A, %dma_wait3A_37] : memref<25x125xi32, #tpu.memory_space<vmem>> -> memref<1x125xi32, #tpu.memory_space<vmem>>
    %dma_wait3A_39 = tpu.memref_squeeze %dma_wait3A_38 : memref<1x125xi32, #tpu.memory_space<vmem>> -> memref<125xi32, #tpu.memory_space<vmem>>
    %dma_wait3A_40 = arith.constant 0 : i32
    %dma_wait3A_41 = arith.constant 0 : i32
    %dma_wait3A_42 = tpu.memref_slice %arg3[%dma_wait3A_40, %dma_wait3A_41] : memref<1000002x64xf32, #tpu.memory_space<hbm>> -> memref<1000002x64xf32, #tpu.memory_space<hbm>>
    tpu.wait_indirect_dma semaphore(%arg11 : memref<!tpu.dma_semaphore, #tpu.memory_space<semaphore_mem>>) src(%dma_wait3A_42 : memref<1000002x64xf32, #tpu.memory_space<hbm>>) dst(%arg6 : memref<125x64xf32, #tpu.memory_space<vmem>>)
    %add3A_43 = arith.constant 0 : i32
    %add3A_44 = arith.addi %mul3A_2, %add3A_43 : i32
    %dma_start3A_45 = arith.constant 0 : i32
    %dma_start3A_46 = tpu.memref_slice %arg4[%add3A_44, %dma_start3A_45] : memref<100000x64xf32, #tpu.memory_space<hbm>> -> memref<125x64xf32, #tpu.memory_space<hbm>>
    %dma_start3A_47 = arith.constant 0 : i32
    %dma_start3A_48 = tpu.memref_slice %arg4[%add3A_44, %dma_start3A_47] : memref<100000x64xf32, #tpu.memory_space<hbm>> -> memref<125x64xf32, #tpu.memory_space<hbm>>
    tpu.enqueue_dma source(%arg6 : memref<125x64xf32, #tpu.memory_space<vmem>>) target(%dma_start3A_48 : memref<125x64xf32, #tpu.memory_space<hbm>>) target_semaphore(%arg16 : memref<!tpu.dma_semaphore, #tpu.memory_space<semaphore_mem>>)
    %add3A_49 = arith.constant 0 : i32
    %add3A_50 = arith.addi %mul3A_2, %add3A_49 : i32
    %dma_wait3A_51 = arith.constant 0 : i32
    %dma_wait3A_52 = tpu.memref_slice %arg4[%add3A_50, %dma_wait3A_51] : memref<100000x64xf32, #tpu.memory_space<hbm>> -> memref<125x64xf32, #tpu.memory_space<hbm>>
    %dma_wait3A_53 = arith.constant 0 : i32
    %dma_wait3A_54 = tpu.memref_slice %arg4[%add3A_50, %dma_wait3A_53] : memref<100000x64xf32, #tpu.memory_space<hbm>> -> memref<125x64xf32, #tpu.memory_space<hbm>>
    tpu.wait_dma2 semaphore(%arg16 : memref<!tpu.dma_semaphore, #tpu.memory_space<semaphore_mem>>) src(%arg6 : memref<125x64xf32, #tpu.memory_space<vmem>>) dst(%dma_wait3A_54 : memref<125x64xf32, #tpu.memory_space<hbm>>)
    %dma_start3A_55 = arith.constant 5 : i32
    %dma_start3A_56 = arith.constant 0 : i32
    %dma_start3A_57 = tpu.memref_slice %arg5[%dma_start3A_55, %dma_start3A_56] : memref<25x125xi32, #tpu.memory_space<vmem>> -> memref<1x125xi32, #tpu.memory_space<vmem>>
    %dma_start3A_58 = tpu.memref_squeeze %dma_start3A_57 : memref<1x125xi32, #tpu.memory_space<vmem>> -> memref<125xi32, #tpu.memory_space<vmem>>
    %dma_start3A_59 = arith.constant 0 : i32
    %dma_start3A_60 = arith.constant 0 : i32
    %dma_start3A_61 = tpu.memref_slice %arg3[%dma_start3A_59, %dma_start3A_60] : memref<1000002x64xf32, #tpu.memory_space<hbm>> -> memref<1000002x64xf32, #tpu.memory_space<hbm>>
    tpu.enqueue_indirect_dma source(%dma_start3A_61 : memref<1000002x64xf32, #tpu.memory_space<hbm>>) target(%arg6 : memref<125x64xf32, #tpu.memory_space<vmem>>) offsets(%dma_start3A_58 : memref<125xi32, #tpu.memory_space<vmem>>) semaphore(%arg11 : memref<!tpu.dma_semaphore, #tpu.memory_space<semaphore_mem>>)
    %dma_wait3A_62 = arith.constant 1 : i32
    %dma_wait3A_63 = arith.constant 0 : i32
    %dma_wait3A_64 = tpu.memref_slice %arg5[%dma_wait3A_62, %dma_wait3A_63] : memref<25x125xi32, #tpu.memory_space<vmem>> -> memref<1x125xi32, #tpu.memory_space<vmem>>
    %dma_wait3A_65 = tpu.memref_squeeze %dma_wait3A_64 : memref<1x125xi32, #tpu.memory_space<vmem>> -> memref<125xi32, #tpu.memory_space<vmem>>
    %dma_wait3A_66 = arith.constant 0 : i32
    %dma_wait3A_67 = arith.constant 0 : i32
    %dma_wait3A_68 = tpu.memref_slice %arg3[%dma_wait3A_66, %dma_wait3A_67] : memref<1000002x64xf32, #tpu.memory_space<hbm>> -> memref<1000002x64xf32, #tpu.memory_space<hbm>>
    tpu.wait_indirect_dma semaphore(%arg12 : memref<!tpu.dma_semaphore, #tpu.memory_space<semaphore_mem>>) src(%dma_wait3A_68 : memref<1000002x64xf32, #tpu.memory_space<hbm>>) dst(%arg7 : memref<125x64xf32, #tpu.memory_space<vmem>>)
    %add3A_69 = arith.constant 125 : i32
    %add3A_70 = arith.addi %mul3A_2, %add3A_69 : i32
    %dma_start3A_71 = arith.constant 0 : i32
    %dma_start3A_72 = tpu.memref_slice %arg4[%add3A_70, %dma_start3A_71] : memref<100000x64xf32, #tpu.memory_space<hbm>> -> memref<125x64xf32, #tpu.memory_space<hbm>>
    %dma_start3A_73 = arith.constant 0 : i32
    %dma_start3A_74 = tpu.memref_slice %arg4[%add3A_70, %dma_start3A_73] : memref<100000x64xf32, #tpu.memory_space<hbm>> -> memref<125x64xf32, #tpu.memory_space<hbm>>
    tpu.enqueue_dma source(%arg7 : memref<125x64xf32, #tpu.memory_space<vmem>>) target(%dma_start3A_74 : memref<125x64xf32, #tpu.memory_space<hbm>>) target_semaphore(%arg17 : memref<!tpu.dma_semaphore, #tpu.memory_space<semaphore_mem>>)
    %add3A_75 = arith.constant 125 : i32
    %add3A_76 = arith.addi %mul3A_2, %add3A_75 : i32
    %dma_wait3A_77 = arith.constant 0 : i32
    %dma_wait3A_78 = tpu.memref_slice %arg4[%add3A_76, %dma_wait3A_77] : memref<100000x64xf32, #tpu.memory_space<hbm>> -> memref<125x64xf32, #tpu.memory_space<hbm>>
    %dma_wait3A_79 = arith.constant 0 : i32
    %dma_wait3A_80 = tpu.memref_slice %arg4[%add3A_76, %dma_wait3A_79] : memref<100000x64xf32, #tpu.memory_space<hbm>> -> memref<125x64xf32, #tpu.memory_space<hbm>>
    tpu.wait_dma2 semaphore(%arg17 : memref<!tpu.dma_semaphore, #tpu.memory_space<semaphore_mem>>) src(%arg7 : memref<125x64xf32, #tpu.memory_space<vmem>>) dst(%dma_wait3A_80 : memref<125x64xf32, #tpu.memory_space<hbm>>)
    %dma_start3A_81 = arith.constant 6 : i32
    %dma_start3A_82 = arith.constant 0 : i32
    %dma_start3A_83 = tpu.memref_slice %arg5[%dma_start3A_81, %dma_start3A_82] : memref<25x125xi32, #tpu.memory_space<vmem>> -> memref<1x125xi32, #tpu.memory_space<vmem>>
    %dma_start3A_84 = tpu.memref_squeeze %dma_start3A_83 : memref<1x125xi32, #tpu.memory_space<vmem>> -> memref<125xi32, #tpu.memory_space<vmem>>
    %dma_start3A_85 = arith.constant 0 : i32
    %dma_start3A_86 = arith.constant 0 : i32
    %dma_start3A_87 = tpu.memref_slice %arg3[%dma_start3A_85, %dma_start3A_86] : memref<1000002x64xf32, #tpu.memory_space<hbm>> -> memref<1000002x64xf32, #tpu.memory_space<hbm>>
    tpu.enqueue_indirect_dma source(%dma_start3A_87 : memref<1000002x64xf32, #tpu.memory_space<hbm>>) target(%arg7 : memref<125x64xf32, #tpu.memory_space<vmem>>) offsets(%dma_start3A_84 : memref<125xi32, #tpu.memory_space<vmem>>) semaphore(%arg12 : memref<!tpu.dma_semaphore, #tpu.memory_space<semaphore_mem>>)
    %dma_wait3A_88 = arith.constant 2 : i32
    %dma_wait3A_89 = arith.constant 0 : i32
    %dma_wait3A_90 = tpu.memref_slice %arg5[%dma_wait3A_88, %dma_wait3A_89] : memref<25x125xi32, #tpu.memory_space<vmem>> -> memref<1x125xi32, #tpu.memory_space<vmem>>
    %dma_wait3A_91 = tpu.memref_squeeze %dma_wait3A_90 : memref<1x125xi32, #tpu.memory_space<vmem>> -> memref<125xi32, #tpu.memory_space<vmem>>
    %dma_wait3A_92 = arith.constant 0 : i32
    %dma_wait3A_93 = arith.constant 0 : i32
    %dma_wait3A_94 = tpu.memref_slice %arg3[%dma_wait3A_92, %dma_wait3A_93] : memref<1000002x64xf32, #tpu.memory_space<hbm>> -> memref<1000002x64xf32, #tpu.memory_space<hbm>>
    tpu.wait_indirect_dma semaphore(%arg13 : memref<!tpu.dma_semaphore, #tpu.memory_space<semaphore_mem>>) src(%dma_wait3A_94 : memref<1000002x64xf32, #tpu.memory_space<hbm>>) dst(%arg8 : memref<125x64xf32, #tpu.memory_space<vmem>>)
    %add3A_95 = arith.constant 250 : i32
    %add3A_96 = arith.addi %mul3A_2, %add3A_95 : i32
    %dma_start3A_97 = arith.constant 0 : i32
    %dma_start3A_98 = tpu.memref_slice %arg4[%add3A_96, %dma_start3A_97] : memref<100000x64xf32, #tpu.memory_space<hbm>> -> memref<125x64xf32, #tpu.memory_space<hbm>>
    %dma_start3A_99 = arith.constant 0 : i32
    %dma_start3A_100 = tpu.memref_slice %arg4[%add3A_96, %dma_start3A_99] : memref<100000x64xf32, #tpu.memory_space<hbm>> -> memref<125x64xf32, #tpu.memory_space<hbm>>
    tpu.enqueue_dma source(%arg8 : memref<125x64xf32, #tpu.memory_space<vmem>>) target(%dma_start3A_100 : memref<125x64xf32, #tpu.memory_space<hbm>>) target_semaphore(%arg18 : memref<!tpu.dma_semaphore, #tpu.memory_space<semaphore_mem>>)
    %add3A_101 = arith.constant 250 : i32
    %add3A_102 = arith.addi %mul3A_2, %add3A_101 : i32
    %dma_wait3A_103 = arith.constant 0 : i32
    %dma_wait3A_104 = tpu.memref_slice %arg4[%add3A_102, %dma_wait3A_103] : memref<100000x64xf32, #tpu.memory_space<hbm>> -> memref<125x64xf32, #tpu.memory_space<hbm>>
    %dma_wait3A_105 = arith.constant 0 : i32
    %dma_wait3A_106 = tpu.memref_slice %arg4[%add3A_102, %dma_wait3A_105] : memref<100000x64xf32, #tpu.memory_space<hbm>> -> memref<125x64xf32, #tpu.memory_space<hbm>>
    tpu.wait_dma2 semaphore(%arg18 : memref<!tpu.dma_semaphore, #tpu.memory_space<semaphore_mem>>) src(%arg8 : memref<125x64xf32, #tpu.memory_space<vmem>>) dst(%dma_wait3A_106 : memref<125x64xf32, #tpu.memory_space<hbm>>)
    %dma_start3A_107 = arith.constant 7 : i32
    %dma_start3A_108 = arith.constant 0 : i32
    %dma_start3A_109 = tpu.memref_slice %arg5[%dma_start3A_107, %dma_start3A_108] : memref<25x125xi32, #tpu.memory_space<vmem>> -> memref<1x125xi32, #tpu.memory_space<vmem>>
    %dma_start3A_110 = tpu.memref_squeeze %dma_start3A_109 : memref<1x125xi32, #tpu.memory_space<vmem>> -> memref<125xi32, #tpu.memory_space<vmem>>
    %dma_start3A_111 = arith.constant 0 : i32
    %dma_start3A_112 = arith.constant 0 : i32
    %dma_start3A_113 = tpu.memref_slice %arg3[%dma_start3A_111, %dma_start3A_112] : memref<1000002x64xf32, #tpu.memory_space<hbm>> -> memref<1000002x64xf32, #tpu.memory_space<hbm>>
    tpu.enqueue_indirect_dma source(%dma_start3A_113 : memref<1000002x64xf32, #tpu.memory_space<hbm>>) target(%arg8 : memref<125x64xf32, #tpu.memory_space<vmem>>) offsets(%dma_start3A_110 : memref<125xi32, #tpu.memory_space<vmem>>) semaphore(%arg13 : memref<!tpu.dma_semaphore, #tpu.memory_space<semaphore_mem>>)
    %dma_wait3A_114 = arith.constant 3 : i32
    %dma_wait3A_115 = arith.constant 0 : i32
    %dma_wait3A_116 = tpu.memref_slice %arg5[%dma_wait3A_114, %dma_wait3A_115] : memref<25x125xi32, #tpu.memory_space<vmem>> -> memref<1x125xi32, #tpu.memory_space<vmem>>
    %dma_wait3A_117 = tpu.memref_squeeze %dma_wait3A_116 : memref<1x125xi32, #tpu.memory_space<vmem>> -> memref<125xi32, #tpu.memory_space<vmem>>
    %dma_wait3A_118 = arith.constant 0 : i32
    %dma_wait3A_119 = arith.constant 0 : i32
    %dma_wait3A_120 = tpu.memref_slice %arg3[%dma_wait3A_118, %dma_wait3A_119] : memref<1000002x64xf32, #tpu.memory_space<hbm>> -> memref<1000002x64xf32, #tpu.memory_space<hbm>>
    tpu.wait_indirect_dma semaphore(%arg14 : memref<!tpu.dma_semaphore, #tpu.memory_space<semaphore_mem>>) src(%dma_wait3A_120 : memref<1000002x64xf32, #tpu.memory_space<hbm>>) dst(%arg9 : memref<125x64xf32, #tpu.memory_space<vmem>>)
    %add3A_121 = arith.constant 375 : i32
    %add3A_122 = arith.addi %mul3A_2, %add3A_121 : i32
    %dma_start3A_123 = arith.constant 0 : i32
    %dma_start3A_124 = tpu.memref_slice %arg4[%add3A_122, %dma_start3A_123] : memref<100000x64xf32, #tpu.memory_space<hbm>> -> memref<125x64xf32, #tpu.memory_space<hbm>>
    %dma_start3A_125 = arith.constant 0 : i32
    %dma_start3A_126 = tpu.memref_slice %arg4[%add3A_122, %dma_start3A_125] : memref<100000x64xf32, #tpu.memory_space<hbm>> -> memref<125x64xf32, #tpu.memory_space<hbm>>
    tpu.enqueue_dma source(%arg9 : memref<125x64xf32, #tpu.memory_space<vmem>>) target(%dma_start3A_126 : memref<125x64xf32, #tpu.memory_space<hbm>>) target_semaphore(%arg19 : memref<!tpu.dma_semaphore, #tpu.memory_space<semaphore_mem>>)
    %add3A_127 = arith.constant 375 : i32
    %add3A_128 = arith.addi %mul3A_2, %add3A_127 : i32
    %dma_wait3A_129 = arith.constant 0 : i32
    %dma_wait3A_130 = tpu.memref_slice %arg4[%add3A_128, %dma_wait3A_129] : memref<100000x64xf32, #tpu.memory_space<hbm>> -> memref<125x64xf32, #tpu.memory_space<hbm>>
    %dma_wait3A_131 = arith.constant 0 : i32
    %dma_wait3A_132 = tpu.memref_slice %arg4[%add3A_128, %dma_wait3A_131] : memref<100000x64xf32, #tpu.memory_space<hbm>> -> memref<125x64xf32, #tpu.memory_space<hbm>>
    tpu.wait_dma2 semaphore(%arg19 : memref<!tpu.dma_semaphore, #tpu.memory_space<semaphore_mem>>) src(%arg9 : memref<125x64xf32, #tpu.memory_space<vmem>>) dst(%dma_wait3A_132 : memref<125x64xf32, #tpu.memory_space<hbm>>)
    %dma_start3A_133 = arith.constant 8 : i32
    %dma_start3A_134 = arith.constant 0 : i32
    %dma_start3A_135 = tpu.memref_slice %arg5[%dma_start3A_133, %dma_start3A_134] : memref<25x125xi32, #tpu.memory_space<vmem>> -> memref<1x125xi32, #tpu.memory_space<vmem>>
    %dma_start3A_136 = tpu.memref_squeeze %dma_start3A_135 : memref<1x125xi32, #tpu.memory_space<vmem>> -> memref<125xi32, #tpu.memory_space<vmem>>
    %dma_start3A_137 = arith.constant 0 : i32
    %dma_start3A_138 = arith.constant 0 : i32
    %dma_start3A_139 = tpu.memref_slice %arg3[%dma_start3A_137, %dma_start3A_138] : memref<1000002x64xf32, #tpu.memory_space<hbm>> -> memref<1000002x64xf32, #tpu.memory_space<hbm>>
    tpu.enqueue_indirect_dma source(%dma_start3A_139 : memref<1000002x64xf32, #tpu.memory_space<hbm>>) target(%arg9 : memref<125x64xf32, #tpu.memory_space<vmem>>) offsets(%dma_start3A_136 : memref<125xi32, #tpu.memory_space<vmem>>) semaphore(%arg14 : memref<!tpu.dma_semaphore, #tpu.memory_space<semaphore_mem>>)
    %dma_wait3A_140 = arith.constant 4 : i32
    %dma_wait3A_141 = arith.constant 0 : i32
    %dma_wait3A_142 = tpu.memref_slice %arg5[%dma_wait3A_140, %dma_wait3A_141] : memref<25x125xi32, #tpu.memory_space<vmem>> -> memref<1x125xi32, #tpu.memory_space<vmem>>
    %dma_wait3A_143 = tpu.memref_squeeze %dma_wait3A_142 : memref<1x125xi32, #tpu.memory_space<vmem>> -> memref<125xi32, #tpu.memory_space<vmem>>
    %dma_wait3A_144 = arith.constant 0 : i32
    %dma_wait3A_145 = arith.constant 0 : i32
    %dma_wait3A_146 = tpu.memref_slice %arg3[%dma_wait3A_144, %dma_wait3A_145] : memref<1000002x64xf32, #tpu.memory_space<hbm>> -> memref<1000002x64xf32, #tpu.memory_space<hbm>>
    tpu.wait_indirect_dma semaphore(%arg15 : memref<!tpu.dma_semaphore, #tpu.memory_space<semaphore_mem>>) src(%dma_wait3A_146 : memref<1000002x64xf32, #tpu.memory_space<hbm>>) dst(%arg10 : memref<125x64xf32, #tpu.memory_space<vmem>>)
    %add3A_147 = arith.constant 500 : i32
    %add3A_148 = arith.addi %mul3A_2, %add3A_147 : i32
    %dma_start3A_149 = arith.constant 0 : i32
    %dma_start3A_150 = tpu.memref_slice %arg4[%add3A_148, %dma_start3A_149] : memref<100000x64xf32, #tpu.memory_space<hbm>> -> memref<125x64xf32, #tpu.memory_space<hbm>>
    %dma_start3A_151 = arith.constant 0 : i32
    %dma_start3A_152 = tpu.memref_slice %arg4[%add3A_148, %dma_start3A_151] : memref<100000x64xf32, #tpu.memory_space<hbm>> -> memref<125x64xf32, #tpu.memory_space<hbm>>
    tpu.enqueue_dma source(%arg10 : memref<125x64xf32, #tpu.memory_space<vmem>>) target(%dma_start3A_152 : memref<125x64xf32, #tpu.memory_space<hbm>>) target_semaphore(%arg20 : memref<!tpu.dma_semaphore, #tpu.memory_space<semaphore_mem>>)
    %add3A_153 = arith.constant 500 : i32
    %add3A_154 = arith.addi %mul3A_2, %add3A_153 : i32
    %dma_wait3A_155 = arith.constant 0 : i32
    %dma_wait3A_156 = tpu.memref_slice %arg4[%add3A_154, %dma_wait3A_155] : memref<100000x64xf32, #tpu.memory_space<hbm>> -> memref<125x64xf32, #tpu.memory_space<hbm>>
    %dma_wait3A_157 = arith.constant 0 : i32
    %dma_wait3A_158 = tpu.memref_slice %arg4[%add3A_154, %dma_wait3A_157] : memref<100000x64xf32, #tpu.memory_space<hbm>> -> memref<125x64xf32, #tpu.memory_space<hbm>>
    tpu.wait_dma2 semaphore(%arg20 : memref<!tpu.dma_semaphore, #tpu.memory_space<semaphore_mem>>) src(%arg10 : memref<125x64xf32, #tpu.memory_space<vmem>>) dst(%dma_wait3A_158 : memref<125x64xf32, #tpu.memory_space<hbm>>)
    %dma_start3A_159 = arith.constant 9 : i32
    %dma_start3A_160 = arith.constant 0 : i32
    %dma_start3A_161 = tpu.memref_slice %arg5[%dma_start3A_159, %dma_start3A_160] : memref<25x125xi32, #tpu.memory_space<vmem>> -> memref<1x125xi32, #tpu.memory_space<vmem>>
    %dma_start3A_162 = tpu.memref_squeeze %dma_start3A_161 : memref<1x125xi32, #tpu.memory_space<vmem>> -> memref<125xi32, #tpu.memory_space<vmem>>
    %dma_start3A_163 = arith.constant 0 : i32
    %dma_start3A_164 = arith.constant 0 : i32
    %dma_start3A_165 = tpu.memref_slice %arg3[%dma_start3A_163, %dma_start3A_164] : memref<1000002x64xf32, #tpu.memory_space<hbm>> -> memref<1000002x64xf32, #tpu.memory_space<hbm>>
    tpu.enqueue_indirect_dma source(%dma_start3A_165 : memref<1000002x64xf32, #tpu.memory_space<hbm>>) target(%arg10 : memref<125x64xf32, #tpu.memory_space<vmem>>) offsets(%dma_start3A_162 : memref<125xi32, #tpu.memory_space<vmem>>) semaphore(%arg15 : memref<!tpu.dma_semaphore, #tpu.memory_space<semaphore_mem>>)
    %dma_wait3A_166 = arith.constant 5 : i32
    %dma_wait3A_167 = arith.constant 0 : i32
    %dma_wait3A_168 = tpu.memref_slice %arg5[%dma_wait3A_166, %dma_wait3A_167] : memref<25x125xi32, #tpu.memory_space<vmem>> -> memref<1x125xi32, #tpu.memory_space<vmem>>
    %dma_wait3A_169 = tpu.memref_squeeze %dma_wait3A_168 : memref<1x125xi32, #tpu.memory_space<vmem>> -> memref<125xi32, #tpu.memory_space<vmem>>
    %dma_wait3A_170 = arith.constant 0 : i32
    %dma_wait3A_171 = arith.constant 0 : i32
    %dma_wait3A_172 = tpu.memref_slice %arg3[%dma_wait3A_170, %dma_wait3A_171] : memref<1000002x64xf32, #tpu.memory_space<hbm>> -> memref<1000002x64xf32, #tpu.memory_space<hbm>>
    tpu.wait_indirect_dma semaphore(%arg11 : memref<!tpu.dma_semaphore, #tpu.memory_space<semaphore_mem>>) src(%dma_wait3A_172 : memref<1000002x64xf32, #tpu.memory_space<hbm>>) dst(%arg6 : memref<125x64xf32, #tpu.memory_space<vmem>>)
    %add3A_173 = arith.constant 625 : i32
    %add3A_174 = arith.addi %mul3A_2, %add3A_173 : i32
    %dma_start3A_175 = arith.constant 0 : i32
    %dma_start3A_176 = tpu.memref_slice %arg4[%add3A_174, %dma_start3A_175] : memref<100000x64xf32, #tpu.memory_space<hbm>> -> memref<125x64xf32, #tpu.memory_space<hbm>>
    %dma_start3A_177 = arith.constant 0 : i32
    %dma_start3A_178 = tpu.memref_slice %arg4[%add3A_174, %dma_start3A_177] : memref<100000x64xf32, #tpu.memory_space<hbm>> -> memref<125x64xf32, #tpu.memory_space<hbm>>
    tpu.enqueue_dma source(%arg6 : memref<125x64xf32, #tpu.memory_space<vmem>>) target(%dma_start3A_178 : memref<125x64xf32, #tpu.memory_space<hbm>>) target_semaphore(%arg16 : memref<!tpu.dma_semaphore, #tpu.memory_space<semaphore_mem>>)
    %add3A_179 = arith.constant 625 : i32
    %add3A_180 = arith.addi %mul3A_2, %add3A_179 : i32
    %dma_wait3A_181 = arith.constant 0 : i32
    %dma_wait3A_182 = tpu.memref_slice %arg4[%add3A_180, %dma_wait3A_181] : memref<100000x64xf32, #tpu.memory_space<hbm>> -> memref<125x64xf32, #tpu.memory_space<hbm>>
    %dma_wait3A_183 = arith.constant 0 : i32
    %dma_wait3A_184 = tpu.memref_slice %arg4[%add3A_180, %dma_wait3A_183] : memref<100000x64xf32, #tpu.memory_space<hbm>> -> memref<125x64xf32, #tpu.memory_space<hbm>>
    tpu.wait_dma2 semaphore(%arg16 : memref<!tpu.dma_semaphore, #tpu.memory_space<semaphore_mem>>) src(%arg6 : memref<125x64xf32, #tpu.memory_space<vmem>>) dst(%dma_wait3A_184 : memref<125x64xf32, #tpu.memory_space<hbm>>)
    %dma_start3A_185 = arith.constant 10 : i32
    %dma_start3A_186 = arith.constant 0 : i32
    %dma_start3A_187 = tpu.memref_slice %arg5[%dma_start3A_185, %dma_start3A_186] : memref<25x125xi32, #tpu.memory_space<vmem>> -> memref<1x125xi32, #tpu.memory_space<vmem>>
    %dma_start3A_188 = tpu.memref_squeeze %dma_start3A_187 : memref<1x125xi32, #tpu.memory_space<vmem>> -> memref<125xi32, #tpu.memory_space<vmem>>
    %dma_start3A_189 = arith.constant 0 : i32
    %dma_start3A_190 = arith.constant 0 : i32
    %dma_start3A_191 = tpu.memref_slice %arg3[%dma_start3A_189, %dma_start3A_190] : memref<1000002x64xf32, #tpu.memory_space<hbm>> -> memref<1000002x64xf32, #tpu.memory_space<hbm>>
    tpu.enqueue_indirect_dma source(%dma_start3A_191 : memref<1000002x64xf32, #tpu.memory_space<hbm>>) target(%arg6 : memref<125x64xf32, #tpu.memory_space<vmem>>) offsets(%dma_start3A_188 : memref<125xi32, #tpu.memory_space<vmem>>) semaphore(%arg11 : memref<!tpu.dma_semaphore, #tpu.memory_space<semaphore_mem>>)
    %dma_wait3A_192 = arith.constant 6 : i32
    %dma_wait3A_193 = arith.constant 0 : i32
    %dma_wait3A_194 = tpu.memref_slice %arg5[%dma_wait3A_192, %dma_wait3A_193] : memref<25x125xi32, #tpu.memory_space<vmem>> -> memref<1x125xi32, #tpu.memory_space<vmem>>
    %dma_wait3A_195 = tpu.memref_squeeze %dma_wait3A_194 : memref<1x125xi32, #tpu.memory_space<vmem>> -> memref<125xi32, #tpu.memory_space<vmem>>
    %dma_wait3A_196 = arith.constant 0 : i32
    %dma_wait3A_197 = arith.constant 0 : i32
    %dma_wait3A_198 = tpu.memref_slice %arg3[%dma_wait3A_196, %dma_wait3A_197] : memref<1000002x64xf32, #tpu.memory_space<hbm>> -> memref<1000002x64xf32, #tpu.memory_space<hbm>>
    tpu.wait_indirect_dma semaphore(%arg12 : memref<!tpu.dma_semaphore, #tpu.memory_space<semaphore_mem>>) src(%dma_wait3A_198 : memref<1000002x64xf32, #tpu.memory_space<hbm>>) dst(%arg7 : memref<125x64xf32, #tpu.memory_space<vmem>>)
    %add3A_199 = arith.constant 750 : i32
    %add3A_200 = arith.addi %mul3A_2, %add3A_199 : i32
    %dma_start3A_201 = arith.constant 0 : i32
    %dma_start3A_202 = tpu.memref_slice %arg4[%add3A_200, %dma_start3A_201] : memref<100000x64xf32, #tpu.memory_space<hbm>> -> memref<125x64xf32, #tpu.memory_space<hbm>>
    %dma_start3A_203 = arith.constant 0 : i32
    %dma_start3A_204 = tpu.memref_slice %arg4[%add3A_200, %dma_start3A_203] : memref<100000x64xf32, #tpu.memory_space<hbm>> -> memref<125x64xf32, #tpu.memory_space<hbm>>
    tpu.enqueue_dma source(%arg7 : memref<125x64xf32, #tpu.memory_space<vmem>>) target(%dma_start3A_204 : memref<125x64xf32, #tpu.memory_space<hbm>>) target_semaphore(%arg17 : memref<!tpu.dma_semaphore, #tpu.memory_space<semaphore_mem>>)
    %add3A_205 = arith.constant 750 : i32
    %add3A_206 = arith.addi %mul3A_2, %add3A_205 : i32
    %dma_wait3A_207 = arith.constant 0 : i32
    %dma_wait3A_208 = tpu.memref_slice %arg4[%add3A_206, %dma_wait3A_207] : memref<100000x64xf32, #tpu.memory_space<hbm>> -> memref<125x64xf32, #tpu.memory_space<hbm>>
    %dma_wait3A_209 = arith.constant 0 : i32
    %dma_wait3A_210 = tpu.memref_slice %arg4[%add3A_206, %dma_wait3A_209] : memref<100000x64xf32, #tpu.memory_space<hbm>> -> memref<125x64xf32, #tpu.memory_space<hbm>>
    tpu.wait_dma2 semaphore(%arg17 : memref<!tpu.dma_semaphore, #tpu.memory_space<semaphore_mem>>) src(%arg7 : memref<125x64xf32, #tpu.memory_space<vmem>>) dst(%dma_wait3A_210 : memref<125x64xf32, #tpu.memory_space<hbm>>)
    %dma_start3A_211 = arith.constant 11 : i32
    %dma_start3A_212 = arith.constant 0 : i32
    %dma_start3A_213 = tpu.memref_slice %arg5[%dma_start3A_211, %dma_start3A_212] : memref<25x125xi32, #tpu.memory_space<vmem>> -> memref<1x125xi32, #tpu.memory_space<vmem>>
    %dma_start3A_214 = tpu.memref_squeeze %dma_start3A_213 : memref<1x125xi32, #tpu.memory_space<vmem>> -> memref<125xi32, #tpu.memory_space<vmem>>
    %dma_start3A_215 = arith.constant 0 : i32
    %dma_start3A_216 = arith.constant 0 : i32
    %dma_start3A_217 = tpu.memref_slice %arg3[%dma_start3A_215, %dma_start3A_216] : memref<1000002x64xf32, #tpu.memory_space<hbm>> -> memref<1000002x64xf32, #tpu.memory_space<hbm>>
    tpu.enqueue_indirect_dma source(%dma_start3A_217 : memref<1000002x64xf32, #tpu.memory_space<hbm>>) target(%arg7 : memref<125x64xf32, #tpu.memory_space<vmem>>) offsets(%dma_start3A_214 : memref<125xi32, #tpu.memory_space<vmem>>) semaphore(%arg12 : memref<!tpu.dma_semaphore, #tpu.memory_space<semaphore_mem>>)
    %dma_wait3A_218 = arith.constant 7 : i32
    %dma_wait3A_219 = arith.constant 0 : i32
    %dma_wait3A_220 = tpu.memref_slice %arg5[%dma_wait3A_218, %dma_wait3A_219] : memref<25x125xi32, #tpu.memory_space<vmem>> -> memref<1x125xi32, #tpu.memory_space<vmem>>
    %dma_wait3A_221 = tpu.memref_squeeze %dma_wait3A_220 : memref<1x125xi32, #tpu.memory_space<vmem>> -> memref<125xi32, #tpu.memory_space<vmem>>
    %dma_wait3A_222 = arith.constant 0 : i32
    %dma_wait3A_223 = arith.constant 0 : i32
    %dma_wait3A_224 = tpu.memref_slice %arg3[%dma_wait3A_222, %dma_wait3A_223] : memref<1000002x64xf32, #tpu.memory_space<hbm>> -> memref<1000002x64xf32, #tpu.memory_space<hbm>>
    tpu.wait_indirect_dma semaphore(%arg13 : memref<!tpu.dma_semaphore, #tpu.memory_space<semaphore_mem>>) src(%dma_wait3A_224 : memref<1000002x64xf32, #tpu.memory_space<hbm>>) dst(%arg8 : memref<125x64xf32, #tpu.memory_space<vmem>>)
    %add3A_225 = arith.constant 875 : i32
    %add3A_226 = arith.addi %mul3A_2, %add3A_225 : i32
    %dma_start3A_227 = arith.constant 0 : i32
    %dma_start3A_228 = tpu.memref_slice %arg4[%add3A_226, %dma_start3A_227] : memref<100000x64xf32, #tpu.memory_space<hbm>> -> memref<125x64xf32, #tpu.memory_space<hbm>>
    %dma_start3A_229 = arith.constant 0 : i32
    %dma_start3A_230 = tpu.memref_slice %arg4[%add3A_226, %dma_start3A_229] : memref<100000x64xf32, #tpu.memory_space<hbm>> -> memref<125x64xf32, #tpu.memory_space<hbm>>
    tpu.enqueue_dma source(%arg8 : memref<125x64xf32, #tpu.memory_space<vmem>>) target(%dma_start3A_230 : memref<125x64xf32, #tpu.memory_space<hbm>>) target_semaphore(%arg18 : memref<!tpu.dma_semaphore, #tpu.memory_space<semaphore_mem>>)
    %add3A_231 = arith.constant 875 : i32
    %add3A_232 = arith.addi %mul3A_2, %add3A_231 : i32
    %dma_wait3A_233 = arith.constant 0 : i32
    %dma_wait3A_234 = tpu.memref_slice %arg4[%add3A_232, %dma_wait3A_233] : memref<100000x64xf32, #tpu.memory_space<hbm>> -> memref<125x64xf32, #tpu.memory_space<hbm>>
    %dma_wait3A_235 = arith.constant 0 : i32
    %dma_wait3A_236 = tpu.memref_slice %arg4[%add3A_232, %dma_wait3A_235] : memref<100000x64xf32, #tpu.memory_space<hbm>> -> memref<125x64xf32, #tpu.memory_space<hbm>>
    tpu.wait_dma2 semaphore(%arg18 : memref<!tpu.dma_semaphore, #tpu.memory_space<semaphore_mem>>) src(%arg8 : memref<125x64xf32, #tpu.memory_space<vmem>>) dst(%dma_wait3A_236 : memref<125x64xf32, #tpu.memory_space<hbm>>)
    %dma_start3A_237 = arith.constant 12 : i32
    %dma_start3A_238 = arith.constant 0 : i32
    %dma_start3A_239 = tpu.memref_slice %arg5[%dma_start3A_237, %dma_start3A_238] : memref<25x125xi32, #tpu.memory_space<vmem>> -> memref<1x125xi32, #tpu.memory_space<vmem>>
    %dma_start3A_240 = tpu.memref_squeeze %dma_start3A_239 : memref<1x125xi32, #tpu.memory_space<vmem>> -> memref<125xi32, #tpu.memory_space<vmem>>
    %dma_start3A_241 = arith.constant 0 : i32
    %dma_start3A_242 = arith.constant 0 : i32
    %dma_start3A_243 = tpu.memref_slice %arg3[%dma_start3A_241, %dma_start3A_242] : memref<1000002x64xf32, #tpu.memory_space<hbm>> -> memref<1000002x64xf32, #tpu.memory_space<hbm>>
    tpu.enqueue_indirect_dma source(%dma_start3A_243 : memref<1000002x64xf32, #tpu.memory_space<hbm>>) target(%arg8 : memref<125x64xf32, #tpu.memory_space<vmem>>) offsets(%dma_start3A_240 : memref<125xi32, #tpu.memory_space<vmem>>) semaphore(%arg13 : memref<!tpu.dma_semaphore, #tpu.memory_space<semaphore_mem>>)
    %dma_wait3A_244 = arith.constant 8 : i32
    %dma_wait3A_245 = arith.constant 0 : i32
    %dma_wait3A_246 = tpu.memref_slice %arg5[%dma_wait3A_244, %dma_wait3A_245] : memref<25x125xi32, #tpu.memory_space<vmem>> -> memref<1x125xi32, #tpu.memory_space<vmem>>
    %dma_wait3A_247 = tpu.memref_squeeze %dma_wait3A_246 : memref<1x125xi32, #tpu.memory_space<vmem>> -> memref<125xi32, #tpu.memory_space<vmem>>
    %dma_wait3A_248 = arith.constant 0 : i32
    %dma_wait3A_249 = arith.constant 0 : i32
    %dma_wait3A_250 = tpu.memref_slice %arg3[%dma_wait3A_248, %dma_wait3A_249] : memref<1000002x64xf32, #tpu.memory_space<hbm>> -> memref<1000002x64xf32, #tpu.memory_space<hbm>>
    tpu.wait_indirect_dma semaphore(%arg14 : memref<!tpu.dma_semaphore, #tpu.memory_space<semaphore_mem>>) src(%dma_wait3A_250 : memref<1000002x64xf32, #tpu.memory_space<hbm>>) dst(%arg9 : memref<125x64xf32, #tpu.memory_space<vmem>>)
    %add3A_251 = arith.constant 1000 : i32
    %add3A_252 = arith.addi %mul3A_2, %add3A_251 : i32
    %dma_start3A_253 = arith.constant 0 : i32
    %dma_start3A_254 = tpu.memref_slice %arg4[%add3A_252, %dma_start3A_253] : memref<100000x64xf32, #tpu.memory_space<hbm>> -> memref<125x64xf32, #tpu.memory_space<hbm>>
    %dma_start3A_255 = arith.constant 0 : i32
    %dma_start3A_256 = tpu.memref_slice %arg4[%add3A_252, %dma_start3A_255] : memref<100000x64xf32, #tpu.memory_space<hbm>> -> memref<125x64xf32, #tpu.memory_space<hbm>>
    tpu.enqueue_dma source(%arg9 : memref<125x64xf32, #tpu.memory_space<vmem>>) target(%dma_start3A_256 : memref<125x64xf32, #tpu.memory_space<hbm>>) target_semaphore(%arg19 : memref<!tpu.dma_semaphore, #tpu.memory_space<semaphore_mem>>)
    %add3A_257 = arith.constant 1000 : i32
    %add3A_258 = arith.addi %mul3A_2, %add3A_257 : i32
    %dma_wait3A_259 = arith.constant 0 : i32
    %dma_wait3A_260 = tpu.memref_slice %arg4[%add3A_258, %dma_wait3A_259] : memref<100000x64xf32, #tpu.memory_space<hbm>> -> memref<125x64xf32, #tpu.memory_space<hbm>>
    %dma_wait3A_261 = arith.constant 0 : i32
    %dma_wait3A_262 = tpu.memref_slice %arg4[%add3A_258, %dma_wait3A_261] : memref<100000x64xf32, #tpu.memory_space<hbm>> -> memref<125x64xf32, #tpu.memory_space<hbm>>
    tpu.wait_dma2 semaphore(%arg19 : memref<!tpu.dma_semaphore, #tpu.memory_space<semaphore_mem>>) src(%arg9 : memref<125x64xf32, #tpu.memory_space<vmem>>) dst(%dma_wait3A_262 : memref<125x64xf32, #tpu.memory_space<hbm>>)
    %dma_start3A_263 = arith.constant 13 : i32
    %dma_start3A_264 = arith.constant 0 : i32
    %dma_start3A_265 = tpu.memref_slice %arg5[%dma_start3A_263, %dma_start3A_264] : memref<25x125xi32, #tpu.memory_space<vmem>> -> memref<1x125xi32, #tpu.memory_space<vmem>>
    %dma_start3A_266 = tpu.memref_squeeze %dma_start3A_265 : memref<1x125xi32, #tpu.memory_space<vmem>> -> memref<125xi32, #tpu.memory_space<vmem>>
    %dma_start3A_267 = arith.constant 0 : i32
    %dma_start3A_268 = arith.constant 0 : i32
    %dma_start3A_269 = tpu.memref_slice %arg3[%dma_start3A_267, %dma_start3A_268] : memref<1000002x64xf32, #tpu.memory_space<hbm>> -> memref<1000002x64xf32, #tpu.memory_space<hbm>>
    tpu.enqueue_indirect_dma source(%dma_start3A_269 : memref<1000002x64xf32, #tpu.memory_space<hbm>>) target(%arg9 : memref<125x64xf32, #tpu.memory_space<vmem>>) offsets(%dma_start3A_266 : memref<125xi32, #tpu.memory_space<vmem>>) semaphore(%arg14 : memref<!tpu.dma_semaphore, #tpu.memory_space<semaphore_mem>>)
    %dma_wait3A_270 = arith.constant 9 : i32
    %dma_wait3A_271 = arith.constant 0 : i32
    %dma_wait3A_272 = tpu.memref_slice %arg5[%dma_wait3A_270, %dma_wait3A_271] : memref<25x125xi32, #tpu.memory_space<vmem>> -> memref<1x125xi32, #tpu.memory_space<vmem>>
    %dma_wait3A_273 = tpu.memref_squeeze %dma_wait3A_272 : memref<1x125xi32, #tpu.memory_space<vmem>> -> memref<125xi32, #tpu.memory_space<vmem>>
    %dma_wait3A_274 = arith.constant 0 : i32
    %dma_wait3A_275 = arith.constant 0 : i32
    %dma_wait3A_276 = tpu.memref_slice %arg3[%dma_wait3A_274, %dma_wait3A_275] : memref<1000002x64xf32, #tpu.memory_space<hbm>> -> memref<1000002x64xf32, #tpu.memory_space<hbm>>
    tpu.wait_indirect_dma semaphore(%arg15 : memref<!tpu.dma_semaphore, #tpu.memory_space<semaphore_mem>>) src(%dma_wait3A_276 : memref<1000002x64xf32, #tpu.memory_space<hbm>>) dst(%arg10 : memref<125x64xf32, #tpu.memory_space<vmem>>)
    %add3A_277 = arith.constant 1125 : i32
    %add3A_278 = arith.addi %mul3A_2, %add3A_277 : i32
    %dma_start3A_279 = arith.constant 0 : i32
    %dma_start3A_280 = tpu.memref_slice %arg4[%add3A_278, %dma_start3A_279] : memref<100000x64xf32, #tpu.memory_space<hbm>> -> memref<125x64xf32, #tpu.memory_space<hbm>>
    %dma_start3A_281 = arith.constant 0 : i32
    %dma_start3A_282 = tpu.memref_slice %arg4[%add3A_278, %dma_start3A_281] : memref<100000x64xf32, #tpu.memory_space<hbm>> -> memref<125x64xf32, #tpu.memory_space<hbm>>
    tpu.enqueue_dma source(%arg10 : memref<125x64xf32, #tpu.memory_space<vmem>>) target(%dma_start3A_282 : memref<125x64xf32, #tpu.memory_space<hbm>>) target_semaphore(%arg20 : memref<!tpu.dma_semaphore, #tpu.memory_space<semaphore_mem>>)
    %add3A_283 = arith.constant 1125 : i32
    %add3A_284 = arith.addi %mul3A_2, %add3A_283 : i32
    %dma_wait3A_285 = arith.constant 0 : i32
    %dma_wait3A_286 = tpu.memref_slice %arg4[%add3A_284, %dma_wait3A_285] : memref<100000x64xf32, #tpu.memory_space<hbm>> -> memref<125x64xf32, #tpu.memory_space<hbm>>
    %dma_wait3A_287 = arith.constant 0 : i32
    %dma_wait3A_288 = tpu.memref_slice %arg4[%add3A_284, %dma_wait3A_287] : memref<100000x64xf32, #tpu.memory_space<hbm>> -> memref<125x64xf32, #tpu.memory_space<hbm>>
    tpu.wait_dma2 semaphore(%arg20 : memref<!tpu.dma_semaphore, #tpu.memory_space<semaphore_mem>>) src(%arg10 : memref<125x64xf32, #tpu.memory_space<vmem>>) dst(%dma_wait3A_288 : memref<125x64xf32, #tpu.memory_space<hbm>>)
    %dma_start3A_289 = arith.constant 14 : i32
    %dma_start3A_290 = arith.constant 0 : i32
    %dma_start3A_291 = tpu.memref_slice %arg5[%dma_start3A_289, %dma_start3A_290] : memref<25x125xi32, #tpu.memory_space<vmem>> -> memref<1x125xi32, #tpu.memory_space<vmem>>
    %dma_start3A_292 = tpu.memref_squeeze %dma_start3A_291 : memref<1x125xi32, #tpu.memory_space<vmem>> -> memref<125xi32, #tpu.memory_space<vmem>>
    %dma_start3A_293 = arith.constant 0 : i32
    %dma_start3A_294 = arith.constant 0 : i32
    %dma_start3A_295 = tpu.memref_slice %arg3[%dma_start3A_293, %dma_start3A_294] : memref<1000002x64xf32, #tpu.memory_space<hbm>> -> memref<1000002x64xf32, #tpu.memory_space<hbm>>
    tpu.enqueue_indirect_dma source(%dma_start3A_295 : memref<1000002x64xf32, #tpu.memory_space<hbm>>) target(%arg10 : memref<125x64xf32, #tpu.memory_space<vmem>>) offsets(%dma_start3A_292 : memref<125xi32, #tpu.memory_space<vmem>>) semaphore(%arg15 : memref<!tpu.dma_semaphore, #tpu.memory_space<semaphore_mem>>)
    %dma_wait3A_296 = arith.constant 10 : i32
    %dma_wait3A_297 = arith.constant 0 : i32
    %dma_wait3A_298 = tpu.memref_slice %arg5[%dma_wait3A_296, %dma_wait3A_297] : memref<25x125xi32, #tpu.memory_space<vmem>> -> memref<1x125xi32, #tpu.memory_space<vmem>>
    %dma_wait3A_299 = tpu.memref_squeeze %dma_wait3A_298 : memref<1x125xi32, #tpu.memory_space<vmem>> -> memref<125xi32, #tpu.memory_space<vmem>>
    %dma_wait3A_300 = arith.constant 0 : i32
    %dma_wait3A_301 = arith.constant 0 : i32
    %dma_wait3A_302 = tpu.memref_slice %arg3[%dma_wait3A_300, %dma_wait3A_301] : memref<1000002x64xf32, #tpu.memory_space<hbm>> -> memref<1000002x64xf32, #tpu.memory_space<hbm>>
    tpu.wait_indirect_dma semaphore(%arg11 : memref<!tpu.dma_semaphore, #tpu.memory_space<semaphore_mem>>) src(%dma_wait3A_302 : memref<1000002x64xf32, #tpu.memory_space<hbm>>) dst(%arg6 : memref<125x64xf32, #tpu.memory_space<vmem>>)
    %add3A_303 = arith.constant 1250 : i32
    %add3A_304 = arith.addi %mul3A_2, %add3A_303 : i32
    %dma_start3A_305 = arith.constant 0 : i32
    %dma_start3A_306 = tpu.memref_slice %arg4[%add3A_304, %dma_start3A_305] : memref<100000x64xf32, #tpu.memory_space<hbm>> -> memref<125x64xf32, #tpu.memory_space<hbm>>
    %dma_start3A_307 = arith.constant 0 : i32
    %dma_start3A_308 = tpu.memref_slice %arg4[%add3A_304, %dma_start3A_307] : memref<100000x64xf32, #tpu.memory_space<hbm>> -> memref<125x64xf32, #tpu.memory_space<hbm>>
    tpu.enqueue_dma source(%arg6 : memref<125x64xf32, #tpu.memory_space<vmem>>) target(%dma_start3A_308 : memref<125x64xf32, #tpu.memory_space<hbm>>) target_semaphore(%arg16 : memref<!tpu.dma_semaphore, #tpu.memory_space<semaphore_mem>>)
    %add3A_309 = arith.constant 1250 : i32
    %add3A_310 = arith.addi %mul3A_2, %add3A_309 : i32
    %dma_wait3A_311 = arith.constant 0 : i32
    %dma_wait3A_312 = tpu.memref_slice %arg4[%add3A_310, %dma_wait3A_311] : memref<100000x64xf32, #tpu.memory_space<hbm>> -> memref<125x64xf32, #tpu.memory_space<hbm>>
    %dma_wait3A_313 = arith.constant 0 : i32
    %dma_wait3A_314 = tpu.memref_slice %arg4[%add3A_310, %dma_wait3A_313] : memref<100000x64xf32, #tpu.memory_space<hbm>> -> memref<125x64xf32, #tpu.memory_space<hbm>>
    tpu.wait_dma2 semaphore(%arg16 : memref<!tpu.dma_semaphore, #tpu.memory_space<semaphore_mem>>) src(%arg6 : memref<125x64xf32, #tpu.memory_space<vmem>>) dst(%dma_wait3A_314 : memref<125x64xf32, #tpu.memory_space<hbm>>)
    %dma_start3A_315 = arith.constant 15 : i32
    %dma_start3A_316 = arith.constant 0 : i32
    %dma_start3A_317 = tpu.memref_slice %arg5[%dma_start3A_315, %dma_start3A_316] : memref<25x125xi32, #tpu.memory_space<vmem>> -> memref<1x125xi32, #tpu.memory_space<vmem>>
    %dma_start3A_318 = tpu.memref_squeeze %dma_start3A_317 : memref<1x125xi32, #tpu.memory_space<vmem>> -> memref<125xi32, #tpu.memory_space<vmem>>
    %dma_start3A_319 = arith.constant 0 : i32
    %dma_start3A_320 = arith.constant 0 : i32
    %dma_start3A_321 = tpu.memref_slice %arg3[%dma_start3A_319, %dma_start3A_320] : memref<1000002x64xf32, #tpu.memory_space<hbm>> -> memref<1000002x64xf32, #tpu.memory_space<hbm>>
    tpu.enqueue_indirect_dma source(%dma_start3A_321 : memref<1000002x64xf32, #tpu.memory_space<hbm>>) target(%arg6 : memref<125x64xf32, #tpu.memory_space<vmem>>) offsets(%dma_start3A_318 : memref<125xi32, #tpu.memory_space<vmem>>) semaphore(%arg11 : memref<!tpu.dma_semaphore, #tpu.memory_space<semaphore_mem>>)
    %dma_wait3A_322 = arith.constant 11 : i32
    %dma_wait3A_323 = arith.constant 0 : i32
    %dma_wait3A_324 = tpu.memref_slice %arg5[%dma_wait3A_322, %dma_wait3A_323] : memref<25x125xi32, #tpu.memory_space<vmem>> -> memref<1x125xi32, #tpu.memory_space<vmem>>
    %dma_wait3A_325 = tpu.memref_squeeze %dma_wait3A_324 : memref<1x125xi32, #tpu.memory_space<vmem>> -> memref<125xi32, #tpu.memory_space<vmem>>
    %dma_wait3A_326 = arith.constant 0 : i32
    %dma_wait3A_327 = arith.constant 0 : i32
    %dma_wait3A_328 = tpu.memref_slice %arg3[%dma_wait3A_326, %dma_wait3A_327] : memref<1000002x64xf32, #tpu.memory_space<hbm>> -> memref<1000002x64xf32, #tpu.memory_space<hbm>>
    tpu.wait_indirect_dma semaphore(%arg12 : memref<!tpu.dma_semaphore, #tpu.memory_space<semaphore_mem>>) src(%dma_wait3A_328 : memref<1000002x64xf32, #tpu.memory_space<hbm>>) dst(%arg7 : memref<125x64xf32, #tpu.memory_space<vmem>>)
    %add3A_329 = arith.constant 1375 : i32
    %add3A_330 = arith.addi %mul3A_2, %add3A_329 : i32
    %dma_start3A_331 = arith.constant 0 : i32
    %dma_start3A_332 = tpu.memref_slice %arg4[%add3A_330, %dma_start3A_331] : memref<100000x64xf32, #tpu.memory_space<hbm>> -> memref<125x64xf32, #tpu.memory_space<hbm>>
    %dma_start3A_333 = arith.constant 0 : i32
    %dma_start3A_334 = tpu.memref_slice %arg4[%add3A_330, %dma_start3A_333] : memref<100000x64xf32, #tpu.memory_space<hbm>> -> memref<125x64xf32, #tpu.memory_space<hbm>>
    tpu.enqueue_dma source(%arg7 : memref<125x64xf32, #tpu.memory_space<vmem>>) target(%dma_start3A_334 : memref<125x64xf32, #tpu.memory_space<hbm>>) target_semaphore(%arg17 : memref<!tpu.dma_semaphore, #tpu.memory_space<semaphore_mem>>)
    %add3A_335 = arith.constant 1375 : i32
    %add3A_336 = arith.addi %mul3A_2, %add3A_335 : i32
    %dma_wait3A_337 = arith.constant 0 : i32
    %dma_wait3A_338 = tpu.memref_slice %arg4[%add3A_336, %dma_wait3A_337] : memref<100000x64xf32, #tpu.memory_space<hbm>> -> memref<125x64xf32, #tpu.memory_space<hbm>>
    %dma_wait3A_339 = arith.constant 0 : i32
    %dma_wait3A_340 = tpu.memref_slice %arg4[%add3A_336, %dma_wait3A_339] : memref<100000x64xf32, #tpu.memory_space<hbm>> -> memref<125x64xf32, #tpu.memory_space<hbm>>
    tpu.wait_dma2 semaphore(%arg17 : memref<!tpu.dma_semaphore, #tpu.memory_space<semaphore_mem>>) src(%arg7 : memref<125x64xf32, #tpu.memory_space<vmem>>) dst(%dma_wait3A_340 : memref<125x64xf32, #tpu.memory_space<hbm>>)
    %dma_start3A_341 = arith.constant 16 : i32
    %dma_start3A_342 = arith.constant 0 : i32
    %dma_start3A_343 = tpu.memref_slice %arg5[%dma_start3A_341, %dma_start3A_342] : memref<25x125xi32, #tpu.memory_space<vmem>> -> memref<1x125xi32, #tpu.memory_space<vmem>>
    %dma_start3A_344 = tpu.memref_squeeze %dma_start3A_343 : memref<1x125xi32, #tpu.memory_space<vmem>> -> memref<125xi32, #tpu.memory_space<vmem>>
    %dma_start3A_345 = arith.constant 0 : i32
    %dma_start3A_346 = arith.constant 0 : i32
    %dma_start3A_347 = tpu.memref_slice %arg3[%dma_start3A_345, %dma_start3A_346] : memref<1000002x64xf32, #tpu.memory_space<hbm>> -> memref<1000002x64xf32, #tpu.memory_space<hbm>>
    tpu.enqueue_indirect_dma source(%dma_start3A_347 : memref<1000002x64xf32, #tpu.memory_space<hbm>>) target(%arg7 : memref<125x64xf32, #tpu.memory_space<vmem>>) offsets(%dma_start3A_344 : memref<125xi32, #tpu.memory_space<vmem>>) semaphore(%arg12 : memref<!tpu.dma_semaphore, #tpu.memory_space<semaphore_mem>>)
    %dma_wait3A_348 = arith.constant 12 : i32
    %dma_wait3A_349 = arith.constant 0 : i32
    %dma_wait3A_350 = tpu.memref_slice %arg5[%dma_wait3A_348, %dma_wait3A_349] : memref<25x125xi32, #tpu.memory_space<vmem>> -> memref<1x125xi32, #tpu.memory_space<vmem>>
    %dma_wait3A_351 = tpu.memref_squeeze %dma_wait3A_350 : memref<1x125xi32, #tpu.memory_space<vmem>> -> memref<125xi32, #tpu.memory_space<vmem>>
    %dma_wait3A_352 = arith.constant 0 : i32
    %dma_wait3A_353 = arith.constant 0 : i32
    %dma_wait3A_354 = tpu.memref_slice %arg3[%dma_wait3A_352, %dma_wait3A_353] : memref<1000002x64xf32, #tpu.memory_space<hbm>> -> memref<1000002x64xf32, #tpu.memory_space<hbm>>
    tpu.wait_indirect_dma semaphore(%arg13 : memref<!tpu.dma_semaphore, #tpu.memory_space<semaphore_mem>>) src(%dma_wait3A_354 : memref<1000002x64xf32, #tpu.memory_space<hbm>>) dst(%arg8 : memref<125x64xf32, #tpu.memory_space<vmem>>)
    %add3A_355 = arith.constant 1500 : i32
    %add3A_356 = arith.addi %mul3A_2, %add3A_355 : i32
    %dma_start3A_357 = arith.constant 0 : i32
    %dma_start3A_358 = tpu.memref_slice %arg4[%add3A_356, %dma_start3A_357] : memref<100000x64xf32, #tpu.memory_space<hbm>> -> memref<125x64xf32, #tpu.memory_space<hbm>>
    %dma_start3A_359 = arith.constant 0 : i32
    %dma_start3A_360 = tpu.memref_slice %arg4[%add3A_356, %dma_start3A_359] : memref<100000x64xf32, #tpu.memory_space<hbm>> -> memref<125x64xf32, #tpu.memory_space<hbm>>
    tpu.enqueue_dma source(%arg8 : memref<125x64xf32, #tpu.memory_space<vmem>>) target(%dma_start3A_360 : memref<125x64xf32, #tpu.memory_space<hbm>>) target_semaphore(%arg18 : memref<!tpu.dma_semaphore, #tpu.memory_space<semaphore_mem>>)
    %add3A_361 = arith.constant 1500 : i32
    %add3A_362 = arith.addi %mul3A_2, %add3A_361 : i32
    %dma_wait3A_363 = arith.constant 0 : i32
    %dma_wait3A_364 = tpu.memref_slice %arg4[%add3A_362, %dma_wait3A_363] : memref<100000x64xf32, #tpu.memory_space<hbm>> -> memref<125x64xf32, #tpu.memory_space<hbm>>
    %dma_wait3A_365 = arith.constant 0 : i32
    %dma_wait3A_366 = tpu.memref_slice %arg4[%add3A_362, %dma_wait3A_365] : memref<100000x64xf32, #tpu.memory_space<hbm>> -> memref<125x64xf32, #tpu.memory_space<hbm>>
    tpu.wait_dma2 semaphore(%arg18 : memref<!tpu.dma_semaphore, #tpu.memory_space<semaphore_mem>>) src(%arg8 : memref<125x64xf32, #tpu.memory_space<vmem>>) dst(%dma_wait3A_366 : memref<125x64xf32, #tpu.memory_space<hbm>>)
    %dma_start3A_367 = arith.constant 17 : i32
    %dma_start3A_368 = arith.constant 0 : i32
    %dma_start3A_369 = tpu.memref_slice %arg5[%dma_start3A_367, %dma_start3A_368] : memref<25x125xi32, #tpu.memory_space<vmem>> -> memref<1x125xi32, #tpu.memory_space<vmem>>
    %dma_start3A_370 = tpu.memref_squeeze %dma_start3A_369 : memref<1x125xi32, #tpu.memory_space<vmem>> -> memref<125xi32, #tpu.memory_space<vmem>>
    %dma_start3A_371 = arith.constant 0 : i32
    %dma_start3A_372 = arith.constant 0 : i32
    %dma_start3A_373 = tpu.memref_slice %arg3[%dma_start3A_371, %dma_start3A_372] : memref<1000002x64xf32, #tpu.memory_space<hbm>> -> memref<1000002x64xf32, #tpu.memory_space<hbm>>
    tpu.enqueue_indirect_dma source(%dma_start3A_373 : memref<1000002x64xf32, #tpu.memory_space<hbm>>) target(%arg8 : memref<125x64xf32, #tpu.memory_space<vmem>>) offsets(%dma_start3A_370 : memref<125xi32, #tpu.memory_space<vmem>>) semaphore(%arg13 : memref<!tpu.dma_semaphore, #tpu.memory_space<semaphore_mem>>)
    %dma_wait3A_374 = arith.constant 13 : i32
    %dma_wait3A_375 = arith.constant 0 : i32
    %dma_wait3A_376 = tpu.memref_slice %arg5[%dma_wait3A_374, %dma_wait3A_375] : memref<25x125xi32, #tpu.memory_space<vmem>> -> memref<1x125xi32, #tpu.memory_space<vmem>>
    %dma_wait3A_377 = tpu.memref_squeeze %dma_wait3A_376 : memref<1x125xi32, #tpu.memory_space<vmem>> -> memref<125xi32, #tpu.memory_space<vmem>>
    %dma_wait3A_378 = arith.constant 0 : i32
    %dma_wait3A_379 = arith.constant 0 : i32
    %dma_wait3A_380 = tpu.memref_slice %arg3[%dma_wait3A_378, %dma_wait3A_379] : memref<1000002x64xf32, #tpu.memory_space<hbm>> -> memref<1000002x64xf32, #tpu.memory_space<hbm>>
    tpu.wait_indirect_dma semaphore(%arg14 : memref<!tpu.dma_semaphore, #tpu.memory_space<semaphore_mem>>) src(%dma_wait3A_380 : memref<1000002x64xf32, #tpu.memory_space<hbm>>) dst(%arg9 : memref<125x64xf32, #tpu.memory_space<vmem>>)
    %add3A_381 = arith.constant 1625 : i32
    %add3A_382 = arith.addi %mul3A_2, %add3A_381 : i32
    %dma_start3A_383 = arith.constant 0 : i32
    %dma_start3A_384 = tpu.memref_slice %arg4[%add3A_382, %dma_start3A_383] : memref<100000x64xf32, #tpu.memory_space<hbm>> -> memref<125x64xf32, #tpu.memory_space<hbm>>
    %dma_start3A_385 = arith.constant 0 : i32
    %dma_start3A_386 = tpu.memref_slice %arg4[%add3A_382, %dma_start3A_385] : memref<100000x64xf32, #tpu.memory_space<hbm>> -> memref<125x64xf32, #tpu.memory_space<hbm>>
    tpu.enqueue_dma source(%arg9 : memref<125x64xf32, #tpu.memory_space<vmem>>) target(%dma_start3A_386 : memref<125x64xf32, #tpu.memory_space<hbm>>) target_semaphore(%arg19 : memref<!tpu.dma_semaphore, #tpu.memory_space<semaphore_mem>>)
    %add3A_387 = arith.constant 1625 : i32
    %add3A_388 = arith.addi %mul3A_2, %add3A_387 : i32
    %dma_wait3A_389 = arith.constant 0 : i32
    %dma_wait3A_390 = tpu.memref_slice %arg4[%add3A_388, %dma_wait3A_389] : memref<100000x64xf32, #tpu.memory_space<hbm>> -> memref<125x64xf32, #tpu.memory_space<hbm>>
    %dma_wait3A_391 = arith.constant 0 : i32
    %dma_wait3A_392 = tpu.memref_slice %arg4[%add3A_388, %dma_wait3A_391] : memref<100000x64xf32, #tpu.memory_space<hbm>> -> memref<125x64xf32, #tpu.memory_space<hbm>>
    tpu.wait_dma2 semaphore(%arg19 : memref<!tpu.dma_semaphore, #tpu.memory_space<semaphore_mem>>) src(%arg9 : memref<125x64xf32, #tpu.memory_space<vmem>>) dst(%dma_wait3A_392 : memref<125x64xf32, #tpu.memory_space<hbm>>)
    %dma_start3A_393 = arith.constant 18 : i32
    %dma_start3A_394 = arith.constant 0 : i32
    %dma_start3A_395 = tpu.memref_slice %arg5[%dma_start3A_393, %dma_start3A_394] : memref<25x125xi32, #tpu.memory_space<vmem>> -> memref<1x125xi32, #tpu.memory_space<vmem>>
    %dma_start3A_396 = tpu.memref_squeeze %dma_start3A_395 : memref<1x125xi32, #tpu.memory_space<vmem>> -> memref<125xi32, #tpu.memory_space<vmem>>
    %dma_start3A_397 = arith.constant 0 : i32
    %dma_start3A_398 = arith.constant 0 : i32
    %dma_start3A_399 = tpu.memref_slice %arg3[%dma_start3A_397, %dma_start3A_398] : memref<1000002x64xf32, #tpu.memory_space<hbm>> -> memref<1000002x64xf32, #tpu.memory_space<hbm>>
    tpu.enqueue_indirect_dma source(%dma_start3A_399 : memref<1000002x64xf32, #tpu.memory_space<hbm>>) target(%arg9 : memref<125x64xf32, #tpu.memory_space<vmem>>) offsets(%dma_start3A_396 : memref<125xi32, #tpu.memory_space<vmem>>) semaphore(%arg14 : memref<!tpu.dma_semaphore, #tpu.memory_space<semaphore_mem>>)
    %dma_wait3A_400 = arith.constant 14 : i32
    %dma_wait3A_401 = arith.constant 0 : i32
    %dma_wait3A_402 = tpu.memref_slice %arg5[%dma_wait3A_400, %dma_wait3A_401] : memref<25x125xi32, #tpu.memory_space<vmem>> -> memref<1x125xi32, #tpu.memory_space<vmem>>
    %dma_wait3A_403 = tpu.memref_squeeze %dma_wait3A_402 : memref<1x125xi32, #tpu.memory_space<vmem>> -> memref<125xi32, #tpu.memory_space<vmem>>
    %dma_wait3A_404 = arith.constant 0 : i32
    %dma_wait3A_405 = arith.constant 0 : i32
    %dma_wait3A_406 = tpu.memref_slice %arg3[%dma_wait3A_404, %dma_wait3A_405] : memref<1000002x64xf32, #tpu.memory_space<hbm>> -> memref<1000002x64xf32, #tpu.memory_space<hbm>>
    tpu.wait_indirect_dma semaphore(%arg15 : memref<!tpu.dma_semaphore, #tpu.memory_space<semaphore_mem>>) src(%dma_wait3A_406 : memref<1000002x64xf32, #tpu.memory_space<hbm>>) dst(%arg10 : memref<125x64xf32, #tpu.memory_space<vmem>>)
    %add3A_407 = arith.constant 1750 : i32
    %add3A_408 = arith.addi %mul3A_2, %add3A_407 : i32
    %dma_start3A_409 = arith.constant 0 : i32
    %dma_start3A_410 = tpu.memref_slice %arg4[%add3A_408, %dma_start3A_409] : memref<100000x64xf32, #tpu.memory_space<hbm>> -> memref<125x64xf32, #tpu.memory_space<hbm>>
    %dma_start3A_411 = arith.constant 0 : i32
    %dma_start3A_412 = tpu.memref_slice %arg4[%add3A_408, %dma_start3A_411] : memref<100000x64xf32, #tpu.memory_space<hbm>> -> memref<125x64xf32, #tpu.memory_space<hbm>>
    tpu.enqueue_dma source(%arg10 : memref<125x64xf32, #tpu.memory_space<vmem>>) target(%dma_start3A_412 : memref<125x64xf32, #tpu.memory_space<hbm>>) target_semaphore(%arg20 : memref<!tpu.dma_semaphore, #tpu.memory_space<semaphore_mem>>)
    %add3A_413 = arith.constant 1750 : i32
    %add3A_414 = arith.addi %mul3A_2, %add3A_413 : i32
    %dma_wait3A_415 = arith.constant 0 : i32
    %dma_wait3A_416 = tpu.memref_slice %arg4[%add3A_414, %dma_wait3A_415] : memref<100000x64xf32, #tpu.memory_space<hbm>> -> memref<125x64xf32, #tpu.memory_space<hbm>>
    %dma_wait3A_417 = arith.constant 0 : i32
    %dma_wait3A_418 = tpu.memref_slice %arg4[%add3A_414, %dma_wait3A_417] : memref<100000x64xf32, #tpu.memory_space<hbm>> -> memref<125x64xf32, #tpu.memory_space<hbm>>
    tpu.wait_dma2 semaphore(%arg20 : memref<!tpu.dma_semaphore, #tpu.memory_space<semaphore_mem>>) src(%arg10 : memref<125x64xf32, #tpu.memory_space<vmem>>) dst(%dma_wait3A_418 : memref<125x64xf32, #tpu.memory_space<hbm>>)
    %dma_start3A_419 = arith.constant 19 : i32
    %dma_start3A_420 = arith.constant 0 : i32
    %dma_start3A_421 = tpu.memref_slice %arg5[%dma_start3A_419, %dma_start3A_420] : memref<25x125xi32, #tpu.memory_space<vmem>> -> memref<1x125xi32, #tpu.memory_space<vmem>>
    %dma_start3A_422 = tpu.memref_squeeze %dma_start3A_421 : memref<1x125xi32, #tpu.memory_space<vmem>> -> memref<125xi32, #tpu.memory_space<vmem>>
    %dma_start3A_423 = arith.constant 0 : i32
    %dma_start3A_424 = arith.constant 0 : i32
    %dma_start3A_425 = tpu.memref_slice %arg3[%dma_start3A_423, %dma_start3A_424] : memref<1000002x64xf32, #tpu.memory_space<hbm>> -> memref<1000002x64xf32, #tpu.memory_space<hbm>>
    tpu.enqueue_indirect_dma source(%dma_start3A_425 : memref<1000002x64xf32, #tpu.memory_space<hbm>>) target(%arg10 : memref<125x64xf32, #tpu.memory_space<vmem>>) offsets(%dma_start3A_422 : memref<125xi32, #tpu.memory_space<vmem>>) semaphore(%arg15 : memref<!tpu.dma_semaphore, #tpu.memory_space<semaphore_mem>>)
    %dma_wait3A_426 = arith.constant 15 : i32
    %dma_wait3A_427 = arith.constant 0 : i32
    %dma_wait3A_428 = tpu.memref_slice %arg5[%dma_wait3A_426, %dma_wait3A_427] : memref<25x125xi32, #tpu.memory_space<vmem>> -> memref<1x125xi32, #tpu.memory_space<vmem>>
    %dma_wait3A_429 = tpu.memref_squeeze %dma_wait3A_428 : memref<1x125xi32, #tpu.memory_space<vmem>> -> memref<125xi32, #tpu.memory_space<vmem>>
    %dma_wait3A_430 = arith.constant 0 : i32
    %dma_wait3A_431 = arith.constant 0 : i32
    %dma_wait3A_432 = tpu.memref_slice %arg3[%dma_wait3A_430, %dma_wait3A_431] : memref<1000002x64xf32, #tpu.memory_space<hbm>> -> memref<1000002x64xf32, #tpu.memory_space<hbm>>
    tpu.wait_indirect_dma semaphore(%arg11 : memref<!tpu.dma_semaphore, #tpu.memory_space<semaphore_mem>>) src(%dma_wait3A_432 : memref<1000002x64xf32, #tpu.memory_space<hbm>>) dst(%arg6 : memref<125x64xf32, #tpu.memory_space<vmem>>)
    %add3A_433 = arith.constant 1875 : i32
    %add3A_434 = arith.addi %mul3A_2, %add3A_433 : i32
    %dma_start3A_435 = arith.constant 0 : i32
    %dma_start3A_436 = tpu.memref_slice %arg4[%add3A_434, %dma_start3A_435] : memref<100000x64xf32, #tpu.memory_space<hbm>> -> memref<125x64xf32, #tpu.memory_space<hbm>>
    %dma_start3A_437 = arith.constant 0 : i32
    %dma_start3A_438 = tpu.memref_slice %arg4[%add3A_434, %dma_start3A_437] : memref<100000x64xf32, #tpu.memory_space<hbm>> -> memref<125x64xf32, #tpu.memory_space<hbm>>
    tpu.enqueue_dma source(%arg6 : memref<125x64xf32, #tpu.memory_space<vmem>>) target(%dma_start3A_438 : memref<125x64xf32, #tpu.memory_space<hbm>>) target_semaphore(%arg16 : memref<!tpu.dma_semaphore, #tpu.memory_space<semaphore_mem>>)
    %add3A_439 = arith.constant 1875 : i32
    %add3A_440 = arith.addi %mul3A_2, %add3A_439 : i32
    %dma_wait3A_441 = arith.constant 0 : i32
    %dma_wait3A_442 = tpu.memref_slice %arg4[%add3A_440, %dma_wait3A_441] : memref<100000x64xf32, #tpu.memory_space<hbm>> -> memref<125x64xf32, #tpu.memory_space<hbm>>
    %dma_wait3A_443 = arith.constant 0 : i32
    %dma_wait3A_444 = tpu.memref_slice %arg4[%add3A_440, %dma_wait3A_443] : memref<100000x64xf32, #tpu.memory_space<hbm>> -> memref<125x64xf32, #tpu.memory_space<hbm>>
    tpu.wait_dma2 semaphore(%arg16 : memref<!tpu.dma_semaphore, #tpu.memory_space<semaphore_mem>>) src(%arg6 : memref<125x64xf32, #tpu.memory_space<vmem>>) dst(%dma_wait3A_444 : memref<125x64xf32, #tpu.memory_space<hbm>>)
    %dma_start3A_445 = arith.constant 20 : i32
    %dma_start3A_446 = arith.constant 0 : i32
    %dma_start3A_447 = tpu.memref_slice %arg5[%dma_start3A_445, %dma_start3A_446] : memref<25x125xi32, #tpu.memory_space<vmem>> -> memref<1x125xi32, #tpu.memory_space<vmem>>
    %dma_start3A_448 = tpu.memref_squeeze %dma_start3A_447 : memref<1x125xi32, #tpu.memory_space<vmem>> -> memref<125xi32, #tpu.memory_space<vmem>>
    %dma_start3A_449 = arith.constant 0 : i32
    %dma_start3A_450 = arith.constant 0 : i32
    %dma_start3A_451 = tpu.memref_slice %arg3[%dma_start3A_449, %dma_start3A_450] : memref<1000002x64xf32, #tpu.memory_space<hbm>> -> memref<1000002x64xf32, #tpu.memory_space<hbm>>
    tpu.enqueue_indirect_dma source(%dma_start3A_451 : memref<1000002x64xf32, #tpu.memory_space<hbm>>) target(%arg6 : memref<125x64xf32, #tpu.memory_space<vmem>>) offsets(%dma_start3A_448 : memref<125xi32, #tpu.memory_space<vmem>>) semaphore(%arg11 : memref<!tpu.dma_semaphore, #tpu.memory_space<semaphore_mem>>)
    %dma_wait3A_452 = arith.constant 16 : i32
    %dma_wait3A_453 = arith.constant 0 : i32
    %dma_wait3A_454 = tpu.memref_slice %arg5[%dma_wait3A_452, %dma_wait3A_453] : memref<25x125xi32, #tpu.memory_space<vmem>> -> memref<1x125xi32, #tpu.memory_space<vmem>>
    %dma_wait3A_455 = tpu.memref_squeeze %dma_wait3A_454 : memref<1x125xi32, #tpu.memory_space<vmem>> -> memref<125xi32, #tpu.memory_space<vmem>>
    %dma_wait3A_456 = arith.constant 0 : i32
    %dma_wait3A_457 = arith.constant 0 : i32
    %dma_wait3A_458 = tpu.memref_slice %arg3[%dma_wait3A_456, %dma_wait3A_457] : memref<1000002x64xf32, #tpu.memory_space<hbm>> -> memref<1000002x64xf32, #tpu.memory_space<hbm>>
    tpu.wait_indirect_dma semaphore(%arg12 : memref<!tpu.dma_semaphore, #tpu.memory_space<semaphore_mem>>) src(%dma_wait3A_458 : memref<1000002x64xf32, #tpu.memory_space<hbm>>) dst(%arg7 : memref<125x64xf32, #tpu.memory_space<vmem>>)
    %add3A_459 = arith.constant 2000 : i32
    %add3A_460 = arith.addi %mul3A_2, %add3A_459 : i32
    %dma_start3A_461 = arith.constant 0 : i32
    %dma_start3A_462 = tpu.memref_slice %arg4[%add3A_460, %dma_start3A_461] : memref<100000x64xf32, #tpu.memory_space<hbm>> -> memref<125x64xf32, #tpu.memory_space<hbm>>
    %dma_start3A_463 = arith.constant 0 : i32
    %dma_start3A_464 = tpu.memref_slice %arg4[%add3A_460, %dma_start3A_463] : memref<100000x64xf32, #tpu.memory_space<hbm>> -> memref<125x64xf32, #tpu.memory_space<hbm>>
    tpu.enqueue_dma source(%arg7 : memref<125x64xf32, #tpu.memory_space<vmem>>) target(%dma_start3A_464 : memref<125x64xf32, #tpu.memory_space<hbm>>) target_semaphore(%arg17 : memref<!tpu.dma_semaphore, #tpu.memory_space<semaphore_mem>>)
    %add3A_465 = arith.constant 2000 : i32
    %add3A_466 = arith.addi %mul3A_2, %add3A_465 : i32
    %dma_wait3A_467 = arith.constant 0 : i32
    %dma_wait3A_468 = tpu.memref_slice %arg4[%add3A_466, %dma_wait3A_467] : memref<100000x64xf32, #tpu.memory_space<hbm>> -> memref<125x64xf32, #tpu.memory_space<hbm>>
    %dma_wait3A_469 = arith.constant 0 : i32
    %dma_wait3A_470 = tpu.memref_slice %arg4[%add3A_466, %dma_wait3A_469] : memref<100000x64xf32, #tpu.memory_space<hbm>> -> memref<125x64xf32, #tpu.memory_space<hbm>>
    tpu.wait_dma2 semaphore(%arg17 : memref<!tpu.dma_semaphore, #tpu.memory_space<semaphore_mem>>) src(%arg7 : memref<125x64xf32, #tpu.memory_space<vmem>>) dst(%dma_wait3A_470 : memref<125x64xf32, #tpu.memory_space<hbm>>)
    %dma_start3A_471 = arith.constant 21 : i32
    %dma_start3A_472 = arith.constant 0 : i32
    %dma_start3A_473 = tpu.memref_slice %arg5[%dma_start3A_471, %dma_start3A_472] : memref<25x125xi32, #tpu.memory_space<vmem>> -> memref<1x125xi32, #tpu.memory_space<vmem>>
    %dma_start3A_474 = tpu.memref_squeeze %dma_start3A_473 : memref<1x125xi32, #tpu.memory_space<vmem>> -> memref<125xi32, #tpu.memory_space<vmem>>
    %dma_start3A_475 = arith.constant 0 : i32
    %dma_start3A_476 = arith.constant 0 : i32
    %dma_start3A_477 = tpu.memref_slice %arg3[%dma_start3A_475, %dma_start3A_476] : memref<1000002x64xf32, #tpu.memory_space<hbm>> -> memref<1000002x64xf32, #tpu.memory_space<hbm>>
    tpu.enqueue_indirect_dma source(%dma_start3A_477 : memref<1000002x64xf32, #tpu.memory_space<hbm>>) target(%arg7 : memref<125x64xf32, #tpu.memory_space<vmem>>) offsets(%dma_start3A_474 : memref<125xi32, #tpu.memory_space<vmem>>) semaphore(%arg12 : memref<!tpu.dma_semaphore, #tpu.memory_space<semaphore_mem>>)
    %dma_wait3A_478 = arith.constant 17 : i32
    %dma_wait3A_479 = arith.constant 0 : i32
    %dma_wait3A_480 = tpu.memref_slice %arg5[%dma_wait3A_478, %dma_wait3A_479] : memref<25x125xi32, #tpu.memory_space<vmem>> -> memref<1x125xi32, #tpu.memory_space<vmem>>
    %dma_wait3A_481 = tpu.memref_squeeze %dma_wait3A_480 : memref<1x125xi32, #tpu.memory_space<vmem>> -> memref<125xi32, #tpu.memory_space<vmem>>
    %dma_wait3A_482 = arith.constant 0 : i32
    %dma_wait3A_483 = arith.constant 0 : i32
    %dma_wait3A_484 = tpu.memref_slice %arg3[%dma_wait3A_482, %dma_wait3A_483] : memref<1000002x64xf32, #tpu.memory_space<hbm>> -> memref<1000002x64xf32, #tpu.memory_space<hbm>>
    tpu.wait_indirect_dma semaphore(%arg13 : memref<!tpu.dma_semaphore, #tpu.memory_space<semaphore_mem>>) src(%dma_wait3A_484 : memref<1000002x64xf32, #tpu.memory_space<hbm>>) dst(%arg8 : memref<125x64xf32, #tpu.memory_space<vmem>>)
    %add3A_485 = arith.constant 2125 : i32
    %add3A_486 = arith.addi %mul3A_2, %add3A_485 : i32
    %dma_start3A_487 = arith.constant 0 : i32
    %dma_start3A_488 = tpu.memref_slice %arg4[%add3A_486, %dma_start3A_487] : memref<100000x64xf32, #tpu.memory_space<hbm>> -> memref<125x64xf32, #tpu.memory_space<hbm>>
    %dma_start3A_489 = arith.constant 0 : i32
    %dma_start3A_490 = tpu.memref_slice %arg4[%add3A_486, %dma_start3A_489] : memref<100000x64xf32, #tpu.memory_space<hbm>> -> memref<125x64xf32, #tpu.memory_space<hbm>>
    tpu.enqueue_dma source(%arg8 : memref<125x64xf32, #tpu.memory_space<vmem>>) target(%dma_start3A_490 : memref<125x64xf32, #tpu.memory_space<hbm>>) target_semaphore(%arg18 : memref<!tpu.dma_semaphore, #tpu.memory_space<semaphore_mem>>)
    %add3A_491 = arith.constant 2125 : i32
    %add3A_492 = arith.addi %mul3A_2, %add3A_491 : i32
    %dma_wait3A_493 = arith.constant 0 : i32
    %dma_wait3A_494 = tpu.memref_slice %arg4[%add3A_492, %dma_wait3A_493] : memref<100000x64xf32, #tpu.memory_space<hbm>> -> memref<125x64xf32, #tpu.memory_space<hbm>>
    %dma_wait3A_495 = arith.constant 0 : i32
    %dma_wait3A_496 = tpu.memref_slice %arg4[%add3A_492, %dma_wait3A_495] : memref<100000x64xf32, #tpu.memory_space<hbm>> -> memref<125x64xf32, #tpu.memory_space<hbm>>
    tpu.wait_dma2 semaphore(%arg18 : memref<!tpu.dma_semaphore, #tpu.memory_space<semaphore_mem>>) src(%arg8 : memref<125x64xf32, #tpu.memory_space<vmem>>) dst(%dma_wait3A_496 : memref<125x64xf32, #tpu.memory_space<hbm>>)
    %dma_start3A_497 = arith.constant 22 : i32
    %dma_start3A_498 = arith.constant 0 : i32
    %dma_start3A_499 = tpu.memref_slice %arg5[%dma_start3A_497, %dma_start3A_498] : memref<25x125xi32, #tpu.memory_space<vmem>> -> memref<1x125xi32, #tpu.memory_space<vmem>>
    %dma_start3A_500 = tpu.memref_squeeze %dma_start3A_499 : memref<1x125xi32, #tpu.memory_space<vmem>> -> memref<125xi32, #tpu.memory_space<vmem>>
    %dma_start3A_501 = arith.constant 0 : i32
    %dma_start3A_502 = arith.constant 0 : i32
    %dma_start3A_503 = tpu.memref_slice %arg3[%dma_start3A_501, %dma_start3A_502] : memref<1000002x64xf32, #tpu.memory_space<hbm>> -> memref<1000002x64xf32, #tpu.memory_space<hbm>>
    tpu.enqueue_indirect_dma source(%dma_start3A_503 : memref<1000002x64xf32, #tpu.memory_space<hbm>>) target(%arg8 : memref<125x64xf32, #tpu.memory_space<vmem>>) offsets(%dma_start3A_500 : memref<125xi32, #tpu.memory_space<vmem>>) semaphore(%arg13 : memref<!tpu.dma_semaphore, #tpu.memory_space<semaphore_mem>>)
    %dma_wait3A_504 = arith.constant 18 : i32
    %dma_wait3A_505 = arith.constant 0 : i32
    %dma_wait3A_506 = tpu.memref_slice %arg5[%dma_wait3A_504, %dma_wait3A_505] : memref<25x125xi32, #tpu.memory_space<vmem>> -> memref<1x125xi32, #tpu.memory_space<vmem>>
    %dma_wait3A_507 = tpu.memref_squeeze %dma_wait3A_506 : memref<1x125xi32, #tpu.memory_space<vmem>> -> memref<125xi32, #tpu.memory_space<vmem>>
    %dma_wait3A_508 = arith.constant 0 : i32
    %dma_wait3A_509 = arith.constant 0 : i32
    %dma_wait3A_510 = tpu.memref_slice %arg3[%dma_wait3A_508, %dma_wait3A_509] : memref<1000002x64xf32, #tpu.memory_space<hbm>> -> memref<1000002x64xf32, #tpu.memory_space<hbm>>
    tpu.wait_indirect_dma semaphore(%arg14 : memref<!tpu.dma_semaphore, #tpu.memory_space<semaphore_mem>>) src(%dma_wait3A_510 : memref<1000002x64xf32, #tpu.memory_space<hbm>>) dst(%arg9 : memref<125x64xf32, #tpu.memory_space<vmem>>)
    %add3A_511 = arith.constant 2250 : i32
    %add3A_512 = arith.addi %mul3A_2, %add3A_511 : i32
    %dma_start3A_513 = arith.constant 0 : i32
    %dma_start3A_514 = tpu.memref_slice %arg4[%add3A_512, %dma_start3A_513] : memref<100000x64xf32, #tpu.memory_space<hbm>> -> memref<125x64xf32, #tpu.memory_space<hbm>>
    %dma_start3A_515 = arith.constant 0 : i32
    %dma_start3A_516 = tpu.memref_slice %arg4[%add3A_512, %dma_start3A_515] : memref<100000x64xf32, #tpu.memory_space<hbm>> -> memref<125x64xf32, #tpu.memory_space<hbm>>
    tpu.enqueue_dma source(%arg9 : memref<125x64xf32, #tpu.memory_space<vmem>>) target(%dma_start3A_516 : memref<125x64xf32, #tpu.memory_space<hbm>>) target_semaphore(%arg19 : memref<!tpu.dma_semaphore, #tpu.memory_space<semaphore_mem>>)
    %add3A_517 = arith.constant 2250 : i32
    %add3A_518 = arith.addi %mul3A_2, %add3A_517 : i32
    %dma_wait3A_519 = arith.constant 0 : i32
    %dma_wait3A_520 = tpu.memref_slice %arg4[%add3A_518, %dma_wait3A_519] : memref<100000x64xf32, #tpu.memory_space<hbm>> -> memref<125x64xf32, #tpu.memory_space<hbm>>
    %dma_wait3A_521 = arith.constant 0 : i32
    %dma_wait3A_522 = tpu.memref_slice %arg4[%add3A_518, %dma_wait3A_521] : memref<100000x64xf32, #tpu.memory_space<hbm>> -> memref<125x64xf32, #tpu.memory_space<hbm>>
    tpu.wait_dma2 semaphore(%arg19 : memref<!tpu.dma_semaphore, #tpu.memory_space<semaphore_mem>>) src(%arg9 : memref<125x64xf32, #tpu.memory_space<vmem>>) dst(%dma_wait3A_522 : memref<125x64xf32, #tpu.memory_space<hbm>>)
    %dma_start3A_523 = arith.constant 23 : i32
    %dma_start3A_524 = arith.constant 0 : i32
    %dma_start3A_525 = tpu.memref_slice %arg5[%dma_start3A_523, %dma_start3A_524] : memref<25x125xi32, #tpu.memory_space<vmem>> -> memref<1x125xi32, #tpu.memory_space<vmem>>
    %dma_start3A_526 = tpu.memref_squeeze %dma_start3A_525 : memref<1x125xi32, #tpu.memory_space<vmem>> -> memref<125xi32, #tpu.memory_space<vmem>>
    %dma_start3A_527 = arith.constant 0 : i32
    %dma_start3A_528 = arith.constant 0 : i32
    %dma_start3A_529 = tpu.memref_slice %arg3[%dma_start3A_527, %dma_start3A_528] : memref<1000002x64xf32, #tpu.memory_space<hbm>> -> memref<1000002x64xf32, #tpu.memory_space<hbm>>
    tpu.enqueue_indirect_dma source(%dma_start3A_529 : memref<1000002x64xf32, #tpu.memory_space<hbm>>) target(%arg9 : memref<125x64xf32, #tpu.memory_space<vmem>>) offsets(%dma_start3A_526 : memref<125xi32, #tpu.memory_space<vmem>>) semaphore(%arg14 : memref<!tpu.dma_semaphore, #tpu.memory_space<semaphore_mem>>)
    %dma_wait3A_530 = arith.constant 19 : i32
    %dma_wait3A_531 = arith.constant 0 : i32
    %dma_wait3A_532 = tpu.memref_slice %arg5[%dma_wait3A_530, %dma_wait3A_531] : memref<25x125xi32, #tpu.memory_space<vmem>> -> memref<1x125xi32, #tpu.memory_space<vmem>>
    %dma_wait3A_533 = tpu.memref_squeeze %dma_wait3A_532 : memref<1x125xi32, #tpu.memory_space<vmem>> -> memref<125xi32, #tpu.memory_space<vmem>>
    %dma_wait3A_534 = arith.constant 0 : i32
    %dma_wait3A_535 = arith.constant 0 : i32
    %dma_wait3A_536 = tpu.memref_slice %arg3[%dma_wait3A_534, %dma_wait3A_535] : memref<1000002x64xf32, #tpu.memory_space<hbm>> -> memref<1000002x64xf32, #tpu.memory_space<hbm>>
    tpu.wait_indirect_dma semaphore(%arg15 : memref<!tpu.dma_semaphore, #tpu.memory_space<semaphore_mem>>) src(%dma_wait3A_536 : memref<1000002x64xf32, #tpu.memory_space<hbm>>) dst(%arg10 : memref<125x64xf32, #tpu.memory_space<vmem>>)
    %add3A_537 = arith.constant 2375 : i32
    %add3A_538 = arith.addi %mul3A_2, %add3A_537 : i32
    %dma_start3A_539 = arith.constant 0 : i32
    %dma_start3A_540 = tpu.memref_slice %arg4[%add3A_538, %dma_start3A_539] : memref<100000x64xf32, #tpu.memory_space<hbm>> -> memref<125x64xf32, #tpu.memory_space<hbm>>
    %dma_start3A_541 = arith.constant 0 : i32
    %dma_start3A_542 = tpu.memref_slice %arg4[%add3A_538, %dma_start3A_541] : memref<100000x64xf32, #tpu.memory_space<hbm>> -> memref<125x64xf32, #tpu.memory_space<hbm>>
    tpu.enqueue_dma source(%arg10 : memref<125x64xf32, #tpu.memory_space<vmem>>) target(%dma_start3A_542 : memref<125x64xf32, #tpu.memory_space<hbm>>) target_semaphore(%arg20 : memref<!tpu.dma_semaphore, #tpu.memory_space<semaphore_mem>>)
    %add3A_543 = arith.constant 2375 : i32
    %add3A_544 = arith.addi %mul3A_2, %add3A_543 : i32
    %dma_wait3A_545 = arith.constant 0 : i32
    %dma_wait3A_546 = tpu.memref_slice %arg4[%add3A_544, %dma_wait3A_545] : memref<100000x64xf32, #tpu.memory_space<hbm>> -> memref<125x64xf32, #tpu.memory_space<hbm>>
    %dma_wait3A_547 = arith.constant 0 : i32
    %dma_wait3A_548 = tpu.memref_slice %arg4[%add3A_544, %dma_wait3A_547] : memref<100000x64xf32, #tpu.memory_space<hbm>> -> memref<125x64xf32, #tpu.memory_space<hbm>>
    tpu.wait_dma2 semaphore(%arg20 : memref<!tpu.dma_semaphore, #tpu.memory_space<semaphore_mem>>) src(%arg10 : memref<125x64xf32, #tpu.memory_space<vmem>>) dst(%dma_wait3A_548 : memref<125x64xf32, #tpu.memory_space<hbm>>)
    %dma_start3A_549 = arith.constant 24 : i32
    %dma_start3A_550 = arith.constant 0 : i32
    %dma_start3A_551 = tpu.memref_slice %arg5[%dma_start3A_549, %dma_start3A_550] : memref<25x125xi32, #tpu.memory_space<vmem>> -> memref<1x125xi32, #tpu.memory_space<vmem>>
    %dma_start3A_552 = tpu.memref_squeeze %dma_start3A_551 : memref<1x125xi32, #tpu.memory_space<vmem>> -> memref<125xi32, #tpu.memory_space<vmem>>
    %dma_start3A_553 = arith.constant 0 : i32
    %dma_start3A_554 = arith.constant 0 : i32
    %dma_start3A_555 = tpu.memref_slice %arg3[%dma_start3A_553, %dma_start3A_554] : memref<1000002x64xf32, #tpu.memory_space<hbm>> -> memref<1000002x64xf32, #tpu.memory_space<hbm>>
    tpu.enqueue_indirect_dma source(%dma_start3A_555 : memref<1000002x64xf32, #tpu.memory_space<hbm>>) target(%arg10 : memref<125x64xf32, #tpu.memory_space<vmem>>) offsets(%dma_start3A_552 : memref<125xi32, #tpu.memory_space<vmem>>) semaphore(%arg15 : memref<!tpu.dma_semaphore, #tpu.memory_space<semaphore_mem>>)
    %dma_wait3A_556 = arith.constant 20 : i32
    %dma_wait3A_557 = arith.constant 0 : i32
    %dma_wait3A_558 = tpu.memref_slice %arg5[%dma_wait3A_556, %dma_wait3A_557] : memref<25x125xi32, #tpu.memory_space<vmem>> -> memref<1x125xi32, #tpu.memory_space<vmem>>
    %dma_wait3A_559 = tpu.memref_squeeze %dma_wait3A_558 : memref<1x125xi32, #tpu.memory_space<vmem>> -> memref<125xi32, #tpu.memory_space<vmem>>
    %dma_wait3A_560 = arith.constant 0 : i32
    %dma_wait3A_561 = arith.constant 0 : i32
    %dma_wait3A_562 = tpu.memref_slice %arg3[%dma_wait3A_560, %dma_wait3A_561] : memref<1000002x64xf32, #tpu.memory_space<hbm>> -> memref<1000002x64xf32, #tpu.memory_space<hbm>>
    tpu.wait_indirect_dma semaphore(%arg11 : memref<!tpu.dma_semaphore, #tpu.memory_space<semaphore_mem>>) src(%dma_wait3A_562 : memref<1000002x64xf32, #tpu.memory_space<hbm>>) dst(%arg6 : memref<125x64xf32, #tpu.memory_space<vmem>>)
    %add3A_563 = arith.constant 2500 : i32
    %add3A_564 = arith.addi %mul3A_2, %add3A_563 : i32
    %dma_start3A_565 = arith.constant 0 : i32
    %dma_start3A_566 = tpu.memref_slice %arg4[%add3A_564, %dma_start3A_565] : memref<100000x64xf32, #tpu.memory_space<hbm>> -> memref<125x64xf32, #tpu.memory_space<hbm>>
    %dma_start3A_567 = arith.constant 0 : i32
    %dma_start3A_568 = tpu.memref_slice %arg4[%add3A_564, %dma_start3A_567] : memref<100000x64xf32, #tpu.memory_space<hbm>> -> memref<125x64xf32, #tpu.memory_space<hbm>>
    tpu.enqueue_dma source(%arg6 : memref<125x64xf32, #tpu.memory_space<vmem>>) target(%dma_start3A_568 : memref<125x64xf32, #tpu.memory_space<hbm>>) target_semaphore(%arg16 : memref<!tpu.dma_semaphore, #tpu.memory_space<semaphore_mem>>)
    %dma_wait3A_569 = arith.constant 21 : i32
    %dma_wait3A_570 = arith.constant 0 : i32
    %dma_wait3A_571 = tpu.memref_slice %arg5[%dma_wait3A_569, %dma_wait3A_570] : memref<25x125xi32, #tpu.memory_space<vmem>> -> memref<1x125xi32, #tpu.memory_space<vmem>>
    %dma_wait3A_572 = tpu.memref_squeeze %dma_wait3A_571 : memref<1x125xi32, #tpu.memory_space<vmem>> -> memref<125xi32, #tpu.memory_space<vmem>>
    %dma_wait3A_573 = arith.constant 0 : i32
    %dma_wait3A_574 = arith.constant 0 : i32
    %dma_wait3A_575 = tpu.memref_slice %arg3[%dma_wait3A_573, %dma_wait3A_574] : memref<1000002x64xf32, #tpu.memory_space<hbm>> -> memref<1000002x64xf32, #tpu.memory_space<hbm>>
    tpu.wait_indirect_dma semaphore(%arg12 : memref<!tpu.dma_semaphore, #tpu.memory_space<semaphore_mem>>) src(%dma_wait3A_575 : memref<1000002x64xf32, #tpu.memory_space<hbm>>) dst(%arg7 : memref<125x64xf32, #tpu.memory_space<vmem>>)
    %add3A_576 = arith.constant 2625 : i32
    %add3A_577 = arith.addi %mul3A_2, %add3A_576 : i32
    %dma_start3A_578 = arith.constant 0 : i32
    %dma_start3A_579 = tpu.memref_slice %arg4[%add3A_577, %dma_start3A_578] : memref<100000x64xf32, #tpu.memory_space<hbm>> -> memref<125x64xf32, #tpu.memory_space<hbm>>
    %dma_start3A_580 = arith.constant 0 : i32
    %dma_start3A_581 = tpu.memref_slice %arg4[%add3A_577, %dma_start3A_580] : memref<100000x64xf32, #tpu.memory_space<hbm>> -> memref<125x64xf32, #tpu.memory_space<hbm>>
    tpu.enqueue_dma source(%arg7 : memref<125x64xf32, #tpu.memory_space<vmem>>) target(%dma_start3A_581 : memref<125x64xf32, #tpu.memory_space<hbm>>) target_semaphore(%arg17 : memref<!tpu.dma_semaphore, #tpu.memory_space<semaphore_mem>>)
    %dma_wait3A_582 = arith.constant 22 : i32
    %dma_wait3A_583 = arith.constant 0 : i32
    %dma_wait3A_584 = tpu.memref_slice %arg5[%dma_wait3A_582, %dma_wait3A_583] : memref<25x125xi32, #tpu.memory_space<vmem>> -> memref<1x125xi32, #tpu.memory_space<vmem>>
    %dma_wait3A_585 = tpu.memref_squeeze %dma_wait3A_584 : memref<1x125xi32, #tpu.memory_space<vmem>> -> memref<125xi32, #tpu.memory_space<vmem>>
    %dma_wait3A_586 = arith.constant 0 : i32
    %dma_wait3A_587 = arith.constant 0 : i32
    %dma_wait3A_588 = tpu.memref_slice %arg3[%dma_wait3A_586, %dma_wait3A_587] : memref<1000002x64xf32, #tpu.memory_space<hbm>> -> memref<1000002x64xf32, #tpu.memory_space<hbm>>
    tpu.wait_indirect_dma semaphore(%arg13 : memref<!tpu.dma_semaphore, #tpu.memory_space<semaphore_mem>>) src(%dma_wait3A_588 : memref<1000002x64xf32, #tpu.memory_space<hbm>>) dst(%arg8 : memref<125x64xf32, #tpu.memory_space<vmem>>)
    %add3A_589 = arith.constant 2750 : i32
    %add3A_590 = arith.addi %mul3A_2, %add3A_589 : i32
    %dma_start3A_591 = arith.constant 0 : i32
    %dma_start3A_592 = tpu.memref_slice %arg4[%add3A_590, %dma_start3A_591] : memref<100000x64xf32, #tpu.memory_space<hbm>> -> memref<125x64xf32, #tpu.memory_space<hbm>>
    %dma_start3A_593 = arith.constant 0 : i32
    %dma_start3A_594 = tpu.memref_slice %arg4[%add3A_590, %dma_start3A_593] : memref<100000x64xf32, #tpu.memory_space<hbm>> -> memref<125x64xf32, #tpu.memory_space<hbm>>
    tpu.enqueue_dma source(%arg8 : memref<125x64xf32, #tpu.memory_space<vmem>>) target(%dma_start3A_594 : memref<125x64xf32, #tpu.memory_space<hbm>>) target_semaphore(%arg18 : memref<!tpu.dma_semaphore, #tpu.memory_space<semaphore_mem>>)
    %dma_wait3A_595 = arith.constant 23 : i32
    %dma_wait3A_596 = arith.constant 0 : i32
    %dma_wait3A_597 = tpu.memref_slice %arg5[%dma_wait3A_595, %dma_wait3A_596] : memref<25x125xi32, #tpu.memory_space<vmem>> -> memref<1x125xi32, #tpu.memory_space<vmem>>
    %dma_wait3A_598 = tpu.memref_squeeze %dma_wait3A_597 : memref<1x125xi32, #tpu.memory_space<vmem>> -> memref<125xi32, #tpu.memory_space<vmem>>
    %dma_wait3A_599 = arith.constant 0 : i32
    %dma_wait3A_600 = arith.constant 0 : i32
    %dma_wait3A_601 = tpu.memref_slice %arg3[%dma_wait3A_599, %dma_wait3A_600] : memref<1000002x64xf32, #tpu.memory_space<hbm>> -> memref<1000002x64xf32, #tpu.memory_space<hbm>>
    tpu.wait_indirect_dma semaphore(%arg14 : memref<!tpu.dma_semaphore, #tpu.memory_space<semaphore_mem>>) src(%dma_wait3A_601 : memref<1000002x64xf32, #tpu.memory_space<hbm>>) dst(%arg9 : memref<125x64xf32, #tpu.memory_space<vmem>>)
    %add3A_602 = arith.constant 2875 : i32
    %add3A_603 = arith.addi %mul3A_2, %add3A_602 : i32
    %dma_start3A_604 = arith.constant 0 : i32
    %dma_start3A_605 = tpu.memref_slice %arg4[%add3A_603, %dma_start3A_604] : memref<100000x64xf32, #tpu.memory_space<hbm>> -> memref<125x64xf32, #tpu.memory_space<hbm>>
    %dma_start3A_606 = arith.constant 0 : i32
    %dma_start3A_607 = tpu.memref_slice %arg4[%add3A_603, %dma_start3A_606] : memref<100000x64xf32, #tpu.memory_space<hbm>> -> memref<125x64xf32, #tpu.memory_space<hbm>>
    tpu.enqueue_dma source(%arg9 : memref<125x64xf32, #tpu.memory_space<vmem>>) target(%dma_start3A_607 : memref<125x64xf32, #tpu.memory_space<hbm>>) target_semaphore(%arg19 : memref<!tpu.dma_semaphore, #tpu.memory_space<semaphore_mem>>)
    %dma_wait3A_608 = arith.constant 24 : i32
    %dma_wait3A_609 = arith.constant 0 : i32
    %dma_wait3A_610 = tpu.memref_slice %arg5[%dma_wait3A_608, %dma_wait3A_609] : memref<25x125xi32, #tpu.memory_space<vmem>> -> memref<1x125xi32, #tpu.memory_space<vmem>>
    %dma_wait3A_611 = tpu.memref_squeeze %dma_wait3A_610 : memref<1x125xi32, #tpu.memory_space<vmem>> -> memref<125xi32, #tpu.memory_space<vmem>>
    %dma_wait3A_612 = arith.constant 0 : i32
    %dma_wait3A_613 = arith.constant 0 : i32
    %dma_wait3A_614 = tpu.memref_slice %arg3[%dma_wait3A_612, %dma_wait3A_613] : memref<1000002x64xf32, #tpu.memory_space<hbm>> -> memref<1000002x64xf32, #tpu.memory_space<hbm>>
    tpu.wait_indirect_dma semaphore(%arg15 : memref<!tpu.dma_semaphore, #tpu.memory_space<semaphore_mem>>) src(%dma_wait3A_614 : memref<1000002x64xf32, #tpu.memory_space<hbm>>) dst(%arg10 : memref<125x64xf32, #tpu.memory_space<vmem>>)
    %add3A_615 = arith.constant 3000 : i32
    %add3A_616 = arith.addi %mul3A_2, %add3A_615 : i32
    %dma_start3A_617 = arith.constant 0 : i32
    %dma_start3A_618 = tpu.memref_slice %arg4[%add3A_616, %dma_start3A_617] : memref<100000x64xf32, #tpu.memory_space<hbm>> -> memref<125x64xf32, #tpu.memory_space<hbm>>
    %dma_start3A_619 = arith.constant 0 : i32
    %dma_start3A_620 = tpu.memref_slice %arg4[%add3A_616, %dma_start3A_619] : memref<100000x64xf32, #tpu.memory_space<hbm>> -> memref<125x64xf32, #tpu.memory_space<hbm>>
    tpu.enqueue_dma source(%arg10 : memref<125x64xf32, #tpu.memory_space<vmem>>) target(%dma_start3A_620 : memref<125x64xf32, #tpu.memory_space<hbm>>) target_semaphore(%arg20 : memref<!tpu.dma_semaphore, #tpu.memory_space<semaphore_mem>>)
    %add3A_621 = arith.constant 2500 : i32
    %add3A_622 = arith.addi %mul3A_2, %add3A_621 : i32
    %dma_wait3A_623 = arith.constant 0 : i32
    %dma_wait3A_624 = tpu.memref_slice %arg4[%add3A_622, %dma_wait3A_623] : memref<100000x64xf32, #tpu.memory_space<hbm>> -> memref<125x64xf32, #tpu.memory_space<hbm>>
    %dma_wait3A_625 = arith.constant 0 : i32
    %dma_wait3A_626 = tpu.memref_slice %arg4[%add3A_622, %dma_wait3A_625] : memref<100000x64xf32, #tpu.memory_space<hbm>> -> memref<125x64xf32, #tpu.memory_space<hbm>>
    tpu.wait_dma2 semaphore(%arg16 : memref<!tpu.dma_semaphore, #tpu.memory_space<semaphore_mem>>) src(%arg6 : memref<125x64xf32, #tpu.memory_space<vmem>>) dst(%dma_wait3A_626 : memref<125x64xf32, #tpu.memory_space<hbm>>)
    %add3A_627 = arith.constant 2625 : i32
    %add3A_628 = arith.addi %mul3A_2, %add3A_627 : i32
    %dma_wait3A_629 = arith.constant 0 : i32
    %dma_wait3A_630 = tpu.memref_slice %arg4[%add3A_628, %dma_wait3A_629] : memref<100000x64xf32, #tpu.memory_space<hbm>> -> memref<125x64xf32, #tpu.memory_space<hbm>>
    %dma_wait3A_631 = arith.constant 0 : i32
    %dma_wait3A_632 = tpu.memref_slice %arg4[%add3A_628, %dma_wait3A_631] : memref<100000x64xf32, #tpu.memory_space<hbm>> -> memref<125x64xf32, #tpu.memory_space<hbm>>
    tpu.wait_dma2 semaphore(%arg17 : memref<!tpu.dma_semaphore, #tpu.memory_space<semaphore_mem>>) src(%arg7 : memref<125x64xf32, #tpu.memory_space<vmem>>) dst(%dma_wait3A_632 : memref<125x64xf32, #tpu.memory_space<hbm>>)
    %add3A_633 = arith.constant 2750 : i32
    %add3A_634 = arith.addi %mul3A_2, %add3A_633 : i32
    %dma_wait3A_635 = arith.constant 0 : i32
    %dma_wait3A_636 = tpu.memref_slice %arg4[%add3A_634, %dma_wait3A_635] : memref<100000x64xf32, #tpu.memory_space<hbm>> -> memref<125x64xf32, #tpu.memory_space<hbm>>
    %dma_wait3A_637 = arith.constant 0 : i32
    %dma_wait3A_638 = tpu.memref_slice %arg4[%add3A_634, %dma_wait3A_637] : memref<100000x64xf32, #tpu.memory_space<hbm>> -> memref<125x64xf32, #tpu.memory_space<hbm>>
    tpu.wait_dma2 semaphore(%arg18 : memref<!tpu.dma_semaphore, #tpu.memory_space<semaphore_mem>>) src(%arg8 : memref<125x64xf32, #tpu.memory_space<vmem>>) dst(%dma_wait3A_638 : memref<125x64xf32, #tpu.memory_space<hbm>>)
    %add3A_639 = arith.constant 2875 : i32
    %add3A_640 = arith.addi %mul3A_2, %add3A_639 : i32
    %dma_wait3A_641 = arith.constant 0 : i32
    %dma_wait3A_642 = tpu.memref_slice %arg4[%add3A_640, %dma_wait3A_641] : memref<100000x64xf32, #tpu.memory_space<hbm>> -> memref<125x64xf32, #tpu.memory_space<hbm>>
    %dma_wait3A_643 = arith.constant 0 : i32
    %dma_wait3A_644 = tpu.memref_slice %arg4[%add3A_640, %dma_wait3A_643] : memref<100000x64xf32, #tpu.memory_space<hbm>> -> memref<125x64xf32, #tpu.memory_space<hbm>>
    tpu.wait_dma2 semaphore(%arg19 : memref<!tpu.dma_semaphore, #tpu.memory_space<semaphore_mem>>) src(%arg9 : memref<125x64xf32, #tpu.memory_space<vmem>>) dst(%dma_wait3A_644 : memref<125x64xf32, #tpu.memory_space<hbm>>)
    %add3A_645 = arith.constant 3000 : i32
    %add3A_646 = arith.addi %mul3A_2, %add3A_645 : i32
    %dma_wait3A_647 = arith.constant 0 : i32
    %dma_wait3A_648 = tpu.memref_slice %arg4[%add3A_646, %dma_wait3A_647] : memref<100000x64xf32, #tpu.memory_space<hbm>> -> memref<125x64xf32, #tpu.memory_space<hbm>>
    %dma_wait3A_649 = arith.constant 0 : i32
    %dma_wait3A_650 = tpu.memref_slice %arg4[%add3A_646, %dma_wait3A_649] : memref<100000x64xf32, #tpu.memory_space<hbm>> -> memref<125x64xf32, #tpu.memory_space<hbm>>
    tpu.wait_dma2 semaphore(%arg20 : memref<!tpu.dma_semaphore, #tpu.memory_space<semaphore_mem>>) src(%arg10 : memref<125x64xf32, #tpu.memory_space<vmem>>) dst(%dma_wait3A_650 : memref<125x64xf32, #tpu.memory_space<hbm>>)
    return
  }
}

</mosaic_0001>

<sc_bundles>
// kernel: kernel.3.cloned.1.call-start
scs
__scs_entry_jumppad:
0x0: {  	(pc) =	sbr.rel $0x88, $3  }
0x1: {  	(tag) =	ssettag $0x0;
	lr =	simm.s32 $0x1  }
0x2: {  	[smem:$0x3F9F] =	sst lr;
	_ =	strace $0xD0000000  }
0x3: {  	_ = 	snop  }
0x4: {  	_ = 	snop  }
0x5: {  	_ = 	snop  }
0x6: {  	_ = 	snop  }
0x7: {  	_ = 	snop  }
__scs_overlays_trampoline_lowered:
0x8: {  	[smem:$0x3FAE] =	sst s0  }
0x9: {  	[smem:$0x3FAF] =	sst s1  }
0xa: {  	[smem:$0x3FB0] =	sst s2  }
0xb: {  	[smem:$0x3FB1] =	sst s3  }
0xc: {  	[smem:$0x3FB2] =	sst s4  }
0xd: {  	[smem:$0x3FB3] =	sst s5  }
0xe: {  	[smem:$0x3FB4] =	sst s6  }
0xf: {  	[smem:$0x3FB5] =	sst s7  }
0x10: {  	[smem:$0x3FB6] =	sst s8  }
0x11: {  	[smem:$0x3FB7] =	sst s9;
	s0 =	simm.s32 @!p0 $0x0  }
0x12: {  	s1 =	sld [smem:$0x3F9D];
	s0 =	simm.s32 @p0 $0x1  }
0x13: {  	[smem:$0x3FB8] =	sst s0;
	s0 =	simm.s32 @!p1 $0x0  }
0x14: {  	s2 =	sld [smem:$0x3F9C];
	s0 =	simm.s32 @p1 $0x1  }
0x15: {  	[smem:$0x3FB9] =	sst s0;
	s0 =	simm.s32 @!p2 $0x0  }
0x16: {  	s3 =	sld [smem:$0x3FDB];
	s0 =	simm.s32 @p2 $0x1  }
0x17: {  	s4 =	simm.s32 $0x1BF5;
	[smem:$0x3FBB] =	sst s0  }
0x18: {  	s0 =	sld [smem:$0x3F9E];
	_ =	swait.ge [sflag:s4], $0x0  }
0x19: {  	s7 =	sld [smem:$0x3F9F]  }
0x1a: {  	s8 =	sadd.s32 $0xFFFFE003, lr  }
0x1b: {  	s9 =	sadd.s32 $0xFFFFFEF7, lr;
	s5 =	simm.s32 $0xFFFFFFFF;
	p2 =	slt.u32 s8, $0xFFFFF086  }
0x1c: {  	p1 =	slt.u32 s9, $0xF7A;
	s5 =	simm.s32 @!p2 $0x0  }
0x1d: {  	s5 =	simm.s32 @p1 $0x1;
	p0 =	seq.s32 s7, s2  }
0x1e: {  	s7 =	smul.u32 @!p0 $0xF7A, s2;
	p2 =	seq.s32 @!p0 s5, $0x0  }
0x1f: {  	s9 =	smul.u32 $0xF7A, s1;
	s8 =	simm.s32 @!p0 $0x1BF5;
	p2 =	por !p2, p0  }
0x20: {  	[sflag:s8] =	ssyncset.s32 @!p0 $0xFFFFF086;
	s6 =	sadd.s32 @!p0 s3, s7;
	s7 =	simm.s32 @!p0 $0x108  }
0x21: {  	s3 =	sadd.s32 s3, s9;
	s6 =	sadd.s32 @!p0 $0x88, s6;
	s7 =	simm.s32 @p2 $0x1082  }
0x22: {  	[simem:s7], [sflag:s8] =	dma.local @!p0 [hbm:s6], $0xF7A  }
0x23: {  	s9 =	sor.u32 $0xD0000000, s2;
	s6 =	simm.s32 $0x108;
	_ =	swait.ge @!p0 [sflag:s8], $0x0  }
0x24: {  	s3 =	sadd.s32 $0x88, s3;
	s6 =	simm.s32 @!p1 $0x1082;
	[sflag:s4] =	ssyncset.s32 $0xFFFFF086  }
0x25: {  	[simem:s6], [sflag:s4] =	dma.local [hbm:s3], $0xF7A  }
0x26: {  	[smem:$0x3F9F] =	sst s1;
	(tag) =	ssettag s2;
	_ =	strace s9  }
0x27: {  	s1 =	sld [smem:$0x3FAF]  }
0x28: {  	s2 =	sld [smem:$0x3FB0]  }
0x29: {  	s4 =	sld [smem:$0x3FB2]  }
0x2a: {  	p0 =	seq.s32 s5, $0x0;
	s5 =	sld [smem:$0x3FB3]  }
0x2b: {  	s6 =	sld [smem:$0x3FB4]  }
0x2c: {  	s7 =	sld [smem:$0x3FB5]  }
0x2d: {  	s3 =	simm.s32 $0x108;
	s8 =	sld [smem:$0x3FB6]  }
0x2e: {  	s3 =	simm.s32 @!p0 $0x1082;
	s9 =	sld [smem:$0x3FB7]  }
0x2f: {  	lr =	sadd.s32 s0, s3;
	s0 =	sld [smem:$0x3FAE]  }
0x30: {  	s3 =	sld [smem:$0x3FB1]  }
0x31: {  	[smem:$0x3FBA] =	sst s10  }
0x32: {  	s10 =	sld [smem:$0x3FB8];
	_ =	sdelay $0x3  }
0x33: {  	p0 =	seq.s32 s10, $0x1;
	s10 =	sld [smem:$0x3FBA];
	_ =	sdelay $0x3  }
0x34: {  	[smem:$0x3FBA] =	sst s10  }
0x35: {  	s10 =	sld [smem:$0x3FB9];
	_ =	sdelay $0x3  }
0x36: {  	p1 =	seq.s32 s10, $0x1;
	s10 =	sld [smem:$0x3FBA];
	_ =	sdelay $0x3  }
0x37: {  	[smem:$0x3FBA] =	sst s10  }
0x38: {  	s10 =	sld [smem:$0x3FBB]  }
0x39: {  	_ = 	snop;
	(pc) =	sbr.ind lr, $3  }
0x3a: {  	_ = 	snop  }
0x3b: {  	_ = 	snop  }
0x3c: {  	p2 =	seq.s32 s10, $0x1;
	s10 =	sld [smem:$0x3FBA]  }
0x3d: {  	_ =	shalt  }
0x3e: {  	_ =	shalt  }
0x3f: {  	_ =	shalt  }
0x40: {  	_ =	shalt  }
0x41: {  	_ =	shalt  }
0x42: {  	_ =	shalt  }
0x43: {  	_ =	shalt  }
0x44: {  	_ =	shalt  }
0x45: {  	_ =	shalt  }
0x46: {  	_ =	shalt  }
0x47: {  	_ =	shalt  }
0x48: {  	_ =	shalt  }
0x49: {  	_ =	shalt  }
0x4a: {  	_ =	shalt  }
0x4b: {  	_ =	shalt  }
0x4c: {  	_ =	shalt  }
0x4d: {  	_ =	shalt  }
0x4e: {  	_ =	shalt  }
0x4f: {  	_ =	shalt  }
0x50: {  	_ =	shalt  }
0x51: {  	_ =	shalt  }
0x52: {  	_ =	shalt  }
0x53: {  	_ =	shalt  }
0x54: {  	_ =	shalt  }
0x55: {  	_ =	shalt  }
0x56: {  	_ =	shalt  }
0x57: {  	_ =	shalt  }
0x58: {  	_ =	shalt  }
0x59: {  	_ =	shalt  }
0x5a: {  	_ =	shalt  }
0x5b: {  	_ =	shalt  }
0x5c: {  	_ =	shalt  }
0x5d: {  	_ =	shalt  }
0x5e: {  	_ =	shalt  }
0x5f: {  	_ =	shalt  }
0x60: {  	_ =	shalt  }
0x61: {  	_ =	shalt  }
0x62: {  	_ =	shalt  }
0x63: {  	_ =	shalt  }
0x64: {  	_ =	shalt  }
0x65: {  	_ =	shalt  }
0x66: {  	_ =	shalt  }
0x67: {  	_ =	shalt  }
0x68: {  	_ =	shalt  }
0x69: {  	_ =	shalt  }
0x6a: {  	_ =	shalt  }
0x6b: {  	_ =	shalt  }
0x6c: {  	_ =	shalt  }
0x6d: {  	_ =	shalt  }
0x6e: {  	_ =	shalt  }
0x6f: {  	_ =	shalt  }
0x70: {  	_ =	shalt  }
0x71: {  	_ =	shalt  }
0x72: {  	_ =	shalt  }
0x73: {  	_ =	shalt  }
0x74: {  	_ =	shalt  }
0x75: {  	_ =	shalt  }
0x76: {  	_ =	shalt  }
0x77: {  	_ =	shalt  }
0x78: {  	_ =	shalt  }
0x79: {  	_ =	shalt  }
0x7a: {  	_ =	shalt  }
0x7b: {  	_ =	shalt  }
0x7c: {  	_ =	shalt  }
0x7d: {  	_ =	shalt  }
0x7e: {  	_ =	shalt  }
0x7f: {  	_ =	shalt  }
0x80: {  	_ =	shalt  }
0x81: {  	_ =	shalt  }
0x82: {  	_ =	shalt  }
0x83: {  	_ =	shalt  }
0x84: {  	_ =	shalt  }
0x85: {  	_ =	shalt  }
0x86: {  	_ =	shalt  }
0x87: {  	_ =	shalt  }
.Lfunc_end0:
.L_simem_size_0:
called_computation_lowered:
.L_overlay_start_0:
0x88: {  	s2 =	sld [smem:$0x3FD9]  }
0x89: {  	s3 =	sld [smem:$0x3FFE];
	_ =	sdelay $0x1  }
0x8a: {  	s1 =	srdreg.scid  }
0x8b: {  	s0 =	sand.u32 $0x1, s1  }
0x8c: {  	s17 =	sshll.u32 s0, $0xA;
	s2 =	sadd.s32 s3, s2  }
0x8d: {  	s2 =	sadd.s32 s2, s17  }
0x8e: {  	[smem:$0x3FC6] =	sst s2  }
0x8f: {  	_ = 	snop  }
0x90: {  	s2 =	sld [smem:$0x3FD0];
	(tm) =	ssettm $0x1  }
0x91: {  	s18 =	sld [smem:$0x3FFB];
	_ =	sdelay $0x3  }
0x92: {  	_ =	strace s18  }
0x93: {  	s3 =	sld [smem:$0x3FFC];
	_ =	sdelay $0x3  }
0x94: {  	_ =	strace s3  }
0x95: {  	s3 =	sld [smem:$0x3FFD];
	_ =	sdelay $0x3  }
0x96: {  	_ =	strace s3  }
0x97: {  	_ =	strace $0x8FFFFFFF  }
0x98: {  	s19 =	sld [smem:$0x3FDB];
	_ =	sdelay $0x1  }
0x99: {  	s4 =	simm.s32 $_scs_section_size  }
0x9a: {  	s5 =	simm.s32 $_size__tile_overlayer_lowered;
	s6 =	simm.s32 $_tile_overlayer_lowered  }
0x9b: {  	s22 =	simm.s32 $0x1BFF;
	s21 =	sshll.u32 s6, $0x1;
	s3 =	sadd.s32 s4, s19  }
0x9c: {  	s7 =	simm.s32 $0x0;
	s20 =	sshll.u32 s5, $0x1;
	s5 =	sadd.s32 s21, s3  }
0x9d: {  	[timem:s7], [sflag:s22] =	dma.local [hbm:s5], s20  }
0x9e: {  	_ =	swait.ge [sflag:s22], s20  }
0x9f: {  	s4 =	ssub.s32 $0x0, s20;
	[sflag:s22] =	ssyncset.done $0x0  }
0xa0: {  	[sflag:s22] =	ssyncadd.s32 s4;
	_ =	sdelay $0x1  }
0xa1: {  	s23 =	simm.s32 $0x1B8B  }
0xa2: {  	_ =	swait.ge [sflag:s23], $0x1  }
0xa3: {  	[sflag:s23] =	ssyncset.done $0x0  }
0xa4: {  	s25 =	simm.s32 $0x1B8E;
	s24 =	sld [smem:$0x3FFE];
	[sflag:s23] =	ssyncadd.s32 $0xFFFFFFFF  }
0xa5: {  	s26 =	simm.s32 $execute0_lowered;
	[smem:$0x3FD2] =	sst s25  }
0xa6: {  	s5 =	sshll.u32 s26, $0x1;
	_ =	strace $0x80000046;
	[dreg:$0x1] =	wrdreg $0xFFFFFFFF  }
0xa7: {  	s28 =	simm.s32 $_size_execute0_lowered;
	s3 =	sadd.s32 s3, s5;
	[dreg:$0x0] =	wrdreg $0x0  }
0xa8: {  	s5 =	sshll.u32 s28, $0x1;
	[dreg:$0x2] =	wrdreg s3  }
0xa9: {  	[dreg:$0x3] =	wrdreg s5  }
0xaa: {  	[dreg:$0x4] =	wrdreg $0xC0  }
0xab: {  	_ =	task [dreg:s7], $0x5FFFF  }
0xac: {  	[dreg:$0x1] =	wrdreg $0xFFFFFFFF  }
0xad: {  	[dreg:$0x0] =	wrdreg $0x60  }
0xae: {  	[dreg:$0x2] =	wrdreg s24  }
0xaf: {  	[dreg:$0x3] =	wrdreg s2  }
0xb0: {  	[dreg:$0x4] =	wrdreg $0x9  }
0xb1: {  	_ =	task.clear_ibuf [dreg:s7], $0x5FFFF;
	_ =	strace $0x90000046  }
0xb2: {  	s29 =	simm.s32 $0x9;
	_ =	strace $0x80000048  }
0xb3: {  	_ =	swait.ge [sflag:s29], $0x1  }
0xb4: {  	[sflag:s29] =	ssyncadd.s32 $0xFFFFFFFF  }
0xb5: {  	_ =	strace $0x90000048  }
0xb6: {  	_ =	sfence  }
0xb7: {  	s30 =	sld [smem:$0x0];
	_ =	sdelay $0x2  }
0xb8: {  	s31 =	sshll.u32 s1, $0xD;
	s1 =	sshrl.u32 s1, $0x2  }
0xb9: {  	s3 =	sand.u32 $0x4000, s31;
	s1 =	sadd.s32 s1, s30  }
0xba: {  	s0 =	sor.u32 s3, s0;
	s1 =	sshll.u32 s1, $0x11  }
0xbb: {  	s0 =	sor.u32 s1, s0  }
0xbc: {  	s0 =	sadd.s32 $0x8F2B, s0  }
0xbd: {  	[sflag:s0] =	ssyncadd.remote.s32 $0x1  }
0xbe: {  	_ =	sfence.sel $0xFFFF  }
0xbf: {  	[dreg:$0x0] =	wrdreg $0xFFFFFFFF;
	(pc) =	sbr.abs _section_cstart, $3  }
0xc0: {  	[dreg:$0x1] =	wrdreg $0xFFFFFFFF  }
0xc1: {  	_ =	task.clear_ibuf [dreg:s7], $0x2FFFF;
	_ =	strace $0x9FFFFFFF  }
0xc2: {  	(tm) =	ssettm $0x7FFFFFFF  }
0xc3: {  	_ =	shalt  }
tec
execute0_lowered:
.L_overlay_start_1:
0x0: {  	(tag) =	ssettag $0x1  }
0x1: {  	s0 =	srdreg.scid;
	s20 =	stileid.u32  }
0x2: {  	s0 =	sand.u32 $0x1, s0;
	s2 =	sshll.u32 s20, $0x1  }
0x3: {  	s3 =	sor.u32 s0, s2  }
0x4: {  	s5 =	smul.u32 $0x190, s3  }
0x5: {  	s1 =	rddreg [dreg:$0x0];
	s2 =	simm.s32 $0x0;
	s6 =	smul.u32 $0x30D40, s3  }
0x6: {  	[smem:$0x7FF] =	sst s2;
	s3 =	smul.u32 $0x61A8, s3  }
0x7: {  	s4 =	rddreg [dreg:$0x1];
	_ =	strace $0x80000047  }
0x8: {  	s5 =	sadd.s32 s5, s1;
	s6 =	sshrl.u32 s6, $0x3;
	s3 =	sadd.s32 s4, s3  }
0x9: {  	s5 =	sadd.s32 $0x7A1600, s5;
	s4 =	sadd.s32 s4, s6;
	[dreg:$0x4] =	wrdreg s3  }
0xa: {  	[dreg:$0x3] =	wrdreg s5;
	s5 =	sadd.s32 $0x3E8, s4  }
0xb: {  	s6 =	sadd.s32 $0x7D0, s4;
	[dreg:$0x5] =	wrdreg s5  }
0xc: {  	s7 =	sadd.s32 $0xBB8, s4;
	[dreg:$0x6] =	wrdreg s6  }
0xd: {  	s8 =	sadd.s32 $0xFA0, s4;
	[dreg:$0x7] =	wrdreg s7  }
0xe: {  	s9 =	sadd.s32 $0x1388, s4;
	[dreg:$0x8] =	wrdreg s8  }
0xf: {  	s10 =	sadd.s32 $0x1770, s4;
	[dreg:$0x9] =	wrdreg s9  }
0x10: {  	s11 =	sadd.s32 $0x1B58, s4;
	[dreg:$0xa] =	wrdreg s10  }
0x11: {  	s12 =	sadd.s32 $0x1F40, s4;
	[dreg:$0xb] =	wrdreg s11  }
0x12: {  	s13 =	sadd.s32 $0x2328, s4;
	[dreg:$0xc] =	wrdreg s12  }
0x13: {  	s14 =	sadd.s32 $0x2710, s4;
	[dreg:$0xd] =	wrdreg s13  }
0x14: {  	s15 =	sadd.s32 $0x2AF8, s4;
	[dreg:$0xe] =	wrdreg s14  }
0x15: {  	s16 =	sadd.s32 $0x2EE0, s4;
	[dreg:$0xf] =	wrdreg s15  }
0x16: {  	s17 =	sadd.s32 $0x32C8, s4;
	[dreg:$0x10] =	wrdreg s16  }
0x17: {  	s18 =	sadd.s32 $0x36B0, s4;
	[dreg:$0x11] =	wrdreg s17  }
0x18: {  	s19 =	sadd.s32 $0x3A98, s4;
	[dreg:$0x12] =	wrdreg s18  }
0x19: {  	s21 =	sadd.s32 $0x3E80, s4;
	[dreg:$0x13] =	wrdreg s19  }
0x1a: {  	s31 =	simm.s32 $0xB;
	s22 =	sadd.s32 $0x4268, s4;
	[dreg:$0x14] =	wrdreg s21  }
0x1b: {  	s30 =	simm.s32 $0x800;
	s23 =	sadd.s32 $0x4650, s4;
	[dreg:$0x15] =	wrdreg s22  }
0x1c: {  	s29 =	simm.s32 $0x880;
	s24 =	sadd.s32 $0x4A38, s4;
	[dreg:$0x16] =	wrdreg s23  }
0x1d: {  	s28 =	simm.s32 $0x900;
	s25 =	sadd.s32 $0x4E20, s4;
	[dreg:$0x17] =	wrdreg s24  }
0x1e: {  	p0 =	por $0x0, $0x0;
	s26 =	sadd.s32 $0x5208, s4;
	[dreg:$0x18] =	wrdreg s25  }
0x1f: {  	s0 =	ssub.s32 $0x2, s0;
	s3 =	simm.s32 $0x8980;
	[dreg:$0x19] =	wrdreg s26  }
0x20: {  	s5 =	sadd.s32 $0x55F0, s4;
	s6 =	sadd.s32 $0x59D8, s4;
	s7 =	sshrl.u32 s0, $0x1  }
0x21: {  	s9 =	sadd.s32 $0x5DC0, s4;
	s8 =	sadd.s32 $0x200, s1;
	s10 =	simm.s32 $0x80  }
0x22: {  	s14 =	simm.s32 $0x7D;
	s11 =	simm.s32 $0x100;
	[dreg:$0x1a] =	wrdreg s5  }
0x23: {  	s12 =	simm.s32 $0xC80;
	s13 =	simm.s32 $0x180;
	[dreg:$0x1b] =	wrdreg s6  }
0x24: {  	s15 =	simm.s32 $0x200;
	s16 =	simm.s32 $0x280;
	[dreg:$0x1c] =	wrdreg s9  }
0x25: {  	s4 =	simm.s32 $0x6;
	s17 =	simm.s32 $0x300;
	[dreg:$0x1d] =	wrdreg s10  }
0x26: {  	s18 =	simm.s32 $0x380;
	s19 =	simm.s32 $0x400;
	[dreg:$0x1e] =	wrdreg s11  }
0x27: {  	s21 =	simm.s32 $0x480;
	s22 =	simm.s32 $0x500;
	[dreg:$0x1f] =	wrdreg s13  }
0x28: {  	s23 =	simm.s32 $0x580;
	s24 =	simm.s32 $0x600;
	[smem:$0x7F3] =	sst s15  }
0x29: {  	s25 =	simm.s32 $0x680;
	s26 =	simm.s32 $0x700;
	[smem:$0x7F4] =	sst s16  }
0x2a: {  	s0 =	ssub.s32 s0, s7;
	s10 =	simm.s32 $0x2BC0;
	[smem:$0x7F5] =	sst s17  }
0x2b: {  	s9 =	simm.s32 $0x4B00;
	s5 =	simm.s32 $0x6A40;
	[smem:$0x7F6] =	sst s18  }
0x2c: {  	s15 =	simm.s32 $0x1;
	s16 =	simm.s32 $0x2;
	[smem:$0x7F7] =	sst s19  }
0x2d: {  	s6 =	simm.s32 $0x7;
	s17 =	simm.s32 $0x3;
	[smem:$0x7F8] =	sst s21  }
0x2e: {  	s7 =	simm.s32 $0x8;
	[smem:$0x7F9] =	sst s22;
	s0 =	smax.u32 s0, $0x1  }
0x2f: {  	s18 =	simm.s32 $0x4;
	[smem:$0x7FA] =	sst s23;
	p1 =	sne.s32 s0, $0x1  }
.Ltmp0:
0x30: {  	s11 =	simm.s32 $0x9;
	[smem:$0x7FB] =	sst s24;
	(pc) =	sbr.rel @!p1 .LBB2_1-.Ltmp0, $4  }
0x31: {  	s19 =	simm.s32 $0x5;
	s13 =	simm.s32 $0xA;
	[smem:$0x7FC] =	sst s25  }
0x32: {  	[smem:$0x7FD] =	sst s26;
	s26 =	simm.s32 $0x980;
	s25 =	simm.s32 $0xA00  }
0x33: {  	s24 =	simm.s32 $0xA80;
	s23 =	simm.s32 $0xB00;
	s22 =	simm.s32 $0xB80  }
0x34: {  	s21 =	simm.s32 $0xC00;
	s1 =	sadd.s32 $0xFFFFFFFF, s0;
	s0 =	rddreg [dreg:$0x3]  }
0x35: {  	[tilespmem:s2], [sflag:$0xB] =	stream.linear.gather [hbm4b:s0+s2], $0xC80, $0x38;
	[tilespmem:$0xA8C0] =	vst v63  }
0x36: {  	_ =	swait.ge [sflag:s31], $0xC80  }
0x37: {  	[sflag:s31] =	ssyncset.done $0x0  }
0x38: {  	s0 =	rddreg [dreg:$0x1d];
	[sflag:s31] =	ssyncadd.s32 $0xFFFFF380  }
0x39: {  	[tilespmem:s12], [sflag:$0x1] =	stream.indirect.gather [hbm4b:s8+s14], $0x40, s2, s14, $0xb8;
	[tilespmem:$0xA8C0] =	vst v63  }
0x3a: {  	s20 =	smov.u32 s1;
	s1 =	rddreg [dreg:$0x1e]  }
0x3b: {  	[tilespmem:s10], [sflag:$0x2] =	stream.indirect.gather [hbm4b:s8+s14], $0x40, s0, s14, $0xb8;
	[tilespmem:$0xA8C0] =	vst v63  }
0x3c: {  	s0 =	rddreg [dreg:$0x1f]  }
0x3d: {  	[tilespmem:s9], [sflag:$0x3] =	stream.indirect.gather [hbm4b:s8+s14], $0x40, s1, s14, $0xb8;
	[tilespmem:$0xA8C0] =	vst v63  }
0x3e: {  	s1 =	sld [smem:$0x7F3]  }
0x3f: {  	[tilespmem:s5], [sflag:$0x4] =	stream.indirect.gather [hbm4b:s8+s14], $0x40, s0, s14, $0xb8;
	[tilespmem:$0xA8C0] =	vst v63  }
0x40: {  	_ = 	snop  }
0x41: {  	[tilespmem:s3], [sflag:$0x5] =	stream.indirect.gather [hbm4b:s8+s14], $0x40, s1, s14, $0xb8;
	[tilespmem:$0xA8C0] =	vst v63  }
0x42: {  	_ =	swait.ge [sflag:s15], $0x1F40  }
0x43: {  	[sflag:s15] =	ssyncset.done $0x0  }
0x44: {  	s1 =	rddreg [dreg:$0x4];
	[sflag:s15] =	ssyncadd.s32 $0xFFFFE0C0  }
0x45: {  	[hbm4b:s1+s2] =	stream.linear.scatter [tilespmem:s12], [sflag:$0x6], $0x1F40, $0x38;
	[tilespmem:$0xA8C0] =	vst v63  }
0x46: {  	_ =	swait.ge [sflag:s4], $0x1F40  }
0x47: {  	s1 =	sld [smem:$0x7F4]  }
0x48: {  	[sflag:s4] =	ssyncset.done $0x0  }
0x49: {  	[sflag:s4] =	ssyncadd.s32 $0xFFFFE0C0  }
0x4a: {  	[tilespmem:s12], [sflag:$0x1] =	stream.indirect.gather [hbm4b:s8+s14], $0x40, s1, s14, $0xb8;
	[tilespmem:$0xA8C0] =	vst v63  }
0x4b: {  	_ =	swait.ge [sflag:s16], $0x1F40  }
0x4c: {  	[sflag:s16] =	ssyncset.done $0x0  }
0x4d: {  	s1 =	rddreg [dreg:$0x5];
	[sflag:s16] =	ssyncadd.s32 $0xFFFFE0C0  }
0x4e: {  	[hbm4b:s1+s2] =	stream.linear.scatter [tilespmem:s10], [sflag:$0x7], $0x1F40, $0x38;
	[tilespmem:$0xA8C0] =	vst v63  }
0x4f: {  	_ =	swait.ge [sflag:s6], $0x1F40  }
0x50: {  	s1 =	sld [smem:$0x7F5]  }
0x51: {  	[sflag:s6] =	ssyncset.done $0x0  }
0x52: {  	[sflag:s6] =	ssyncadd.s32 $0xFFFFE0C0  }
0x53: {  	[tilespmem:s10], [sflag:$0x2] =	stream.indirect.gather [hbm4b:s8+s14], $0x40, s1, s14, $0xb8;
	[tilespmem:$0xA8C0] =	vst v63  }
0x54: {  	_ =	swait.ge [sflag:s17], $0x1F40  }
0x55: {  	[sflag:s17] =	ssyncset.done $0x0  }
0x56: {  	s1 =	rddreg [dreg:$0x6];
	[sflag:s17] =	ssyncadd.s32 $0xFFFFE0C0  }
0x57: {  	[hbm4b:s1+s2] =	stream.linear.scatter [tilespmem:s9], [sflag:$0x8], $0x1F40, $0x38;
	[tilespmem:$0xA8C0] =	vst v63  }
0x58: {  	_ =	swait.ge [sflag:s7], $0x1F40  }
0x59: {  	s1 =	sld [smem:$0x7F6]  }
0x5a: {  	[sflag:s7] =	ssyncset.done $0x0  }
0x5b: {  	[sflag:s7] =	ssyncadd.s32 $0xFFFFE0C0  }
0x5c: {  	[tilespmem:s9], [sflag:$0x3] =	stream.indirect.gather [hbm4b:s8+s14], $0x40, s1, s14, $0xb8;
	[tilespmem:$0xA8C0] =	vst v63  }
0x5d: {  	_ =	swait.ge [sflag:s18], $0x1F40  }
0x5e: {  	[sflag:s18] =	ssyncset.done $0x0  }
0x5f: {  	s1 =	rddreg [dreg:$0x7];
	[sflag:s18] =	ssyncadd.s32 $0xFFFFE0C0  }
0x60: {  	[hbm4b:s1+s2] =	stream.linear.scatter [tilespmem:s5], [sflag:$0x9], $0x1F40, $0x38;
	[tilespmem:$0xA8C0] =	vst v63  }
0x61: {  	_ =	swait.ge [sflag:s11], $0x1F40  }
0x62: {  	s1 =	sld [smem:$0x7F7]  }
0x63: {  	[sflag:s11] =	ssyncset.done $0x0  }
0x64: {  	[sflag:s11] =	ssyncadd.s32 $0xFFFFE0C0  }
0x65: {  	[tilespmem:s5], [sflag:$0x4] =	stream.indirect.gather [hbm4b:s8+s14], $0x40, s1, s14, $0xb8;
	[tilespmem:$0xA8C0] =	vst v63  }
0x66: {  	_ =	swait.ge [sflag:s19], $0x1F40  }
0x67: {  	[sflag:s19] =	ssyncset.done $0x0  }
0x68: {  	s1 =	rddreg [dreg:$0x8];
	[sflag:s19] =	ssyncadd.s32 $0xFFFFE0C0  }
0x69: {  	[hbm4b:s1+s2] =	stream.linear.scatter [tilespmem:s3], [sflag:$0xA], $0x1F40, $0x38;
	[tilespmem:$0xA8C0] =	vst v63  }
0x6a: {  	_ =	swait.ge [sflag:s13], $0x1F40  }
0x6b: {  	s1 =	sld [smem:$0x7F8]  }
0x6c: {  	[sflag:s13] =	ssyncset.done $0x0  }
0x6d: {  	[sflag:s13] =	ssyncadd.s32 $0xFFFFE0C0  }
0x6e: {  	[tilespmem:s3], [sflag:$0x5] =	stream.indirect.gather [hbm4b:s8+s14], $0x40, s1, s14, $0xb8;
	[tilespmem:$0xA8C0] =	vst v63  }
0x6f: {  	_ =	swait.ge [sflag:s15], $0x1F40  }
0x70: {  	[sflag:s15] =	ssyncset.done $0x0  }
0x71: {  	s1 =	rddreg [dreg:$0x9];
	[sflag:s15] =	ssyncadd.s32 $0xFFFFE0C0  }
0x72: {  	[hbm4b:s1+s2] =	stream.linear.scatter [tilespmem:s12], [sflag:$0x6], $0x1F40, $0x38;
	[tilespmem:$0xA8C0] =	vst v63  }
0x73: {  	_ =	swait.ge [sflag:s4], $0x1F40  }
0x74: {  	s1 =	sld [smem:$0x7F9]  }
0x75: {  	[sflag:s4] =	ssyncset.done $0x0  }
0x76: {  	[sflag:s4] =	ssyncadd.s32 $0xFFFFE0C0  }
0x77: {  	[tilespmem:s12], [sflag:$0x1] =	stream.indirect.gather [hbm4b:s8+s14], $0x40, s1, s14, $0xb8;
	[tilespmem:$0xA8C0] =	vst v63  }
0x78: {  	_ =	swait.ge [sflag:s16], $0x1F40  }
0x79: {  	[sflag:s16] =	ssyncset.done $0x0  }
0x7a: {  	s1 =	rddreg [dreg:$0xa];
	[sflag:s16] =	ssyncadd.s32 $0xFFFFE0C0  }
0x7b: {  	[hbm4b:s1+s2] =	stream.linear.scatter [tilespmem:s10], [sflag:$0x7], $0x1F40, $0x38;
	[tilespmem:$0xA8C0] =	vst v63  }
0x7c: {  	_ =	swait.ge [sflag:s6], $0x1F40  }
0x7d: {  	s1 =	sld [smem:$0x7FA]  }
0x7e: {  	[sflag:s6] =	ssyncset.done $0x0  }
0x7f: {  	[sflag:s6] =	ssyncadd.s32 $0xFFFFE0C0  }
0x80: {  	[tilespmem:s10], [sflag:$0x2] =	stream.indirect.gather [hbm4b:s8+s14], $0x40, s1, s14, $0xb8;
	[tilespmem:$0xA8C0] =	vst v63  }
0x81: {  	_ =	swait.ge [sflag:s17], $0x1F40  }
0x82: {  	[sflag:s17] =	ssyncset.done $0x0  }
0x83: {  	s1 =	rddreg [dreg:$0xb];
	[sflag:s17] =	ssyncadd.s32 $0xFFFFE0C0  }
0x84: {  	[hbm4b:s1+s2] =	stream.linear.scatter [tilespmem:s9], [sflag:$0x8], $0x1F40, $0x38;
	[tilespmem:$0xA8C0] =	vst v63  }
0x85: {  	_ =	swait.ge [sflag:s7], $0x1F40  }
0x86: {  	s1 =	sld [smem:$0x7FB]  }
0x87: {  	[sflag:s7] =	ssyncset.done $0x0  }
0x88: {  	[sflag:s7] =	ssyncadd.s32 $0xFFFFE0C0  }
0x89: {  	[tilespmem:s9], [sflag:$0x3] =	stream.indirect.gather [hbm4b:s8+s14], $0x40, s1, s14, $0xb8;
	[tilespmem:$0xA8C0] =	vst v63  }
0x8a: {  	_ =	swait.ge [sflag:s18], $0x1F40  }
0x8b: {  	[sflag:s18] =	ssyncset.done $0x0  }
0x8c: {  	s1 =	rddreg [dreg:$0xc];
	[sflag:s18] =	ssyncadd.s32 $0xFFFFE0C0  }
0x8d: {  	[hbm4b:s1+s2] =	stream.linear.scatter [tilespmem:s5], [sflag:$0x9], $0x1F40, $0x38;
	[tilespmem:$0xA8C0] =	vst v63  }
0x8e: {  	_ =	swait.ge [sflag:s11], $0x1F40  }
0x8f: {  	s1 =	sld [smem:$0x7FC]  }
0x90: {  	[sflag:s11] =	ssyncset.done $0x0  }
0x91: {  	[sflag:s11] =	ssyncadd.s32 $0xFFFFE0C0  }
0x92: {  	[tilespmem:s5], [sflag:$0x4] =	stream.indirect.gather [hbm4b:s8+s14], $0x40, s1, s14, $0xb8;
	[tilespmem:$0xA8C0] =	vst v63  }
0x93: {  	_ =	swait.ge [sflag:s19], $0x1F40  }
0x94: {  	[sflag:s19] =	ssyncset.done $0x0  }
0x95: {  	s1 =	rddreg [dreg:$0xd];
	[sflag:s19] =	ssyncadd.s32 $0xFFFFE0C0  }
0x96: {  	[hbm4b:s1+s2] =	stream.linear.scatter [tilespmem:s3], [sflag:$0xA], $0x1F40, $0x38;
	[tilespmem:$0xA8C0] =	vst v63  }
0x97: {  	_ =	swait.ge [sflag:s13], $0x1F40  }
0x98: {  	s1 =	sld [smem:$0x7FD]  }
0x99: {  	[sflag:s13] =	ssyncset.done $0x0  }
0x9a: {  	[sflag:s13] =	ssyncadd.s32 $0xFFFFE0C0  }
0x9b: {  	[tilespmem:s3], [sflag:$0x5] =	stream.indirect.gather [hbm4b:s8+s14], $0x40, s1, s14, $0xb8;
	[tilespmem:$0xA8C0] =	vst v63  }
0x9c: {  	_ =	swait.ge [sflag:s15], $0x1F40  }
0x9d: {  	[sflag:s15] =	ssyncset.done $0x0  }
0x9e: {  	s1 =	rddreg [dreg:$0xe];
	[sflag:s15] =	ssyncadd.s32 $0xFFFFE0C0  }
0x9f: {  	[hbm4b:s1+s2] =	stream.linear.scatter [tilespmem:s12], [sflag:$0x6], $0x1F40, $0x38;
	[tilespmem:$0xA8C0] =	vst v63  }
0xa0: {  	_ =	swait.ge [sflag:s4], $0x1F40  }
0xa1: {  	[sflag:s4] =	ssyncset.done $0x0  }
0xa2: {  	s1 =	simm.s32 $0x780;
	[sflag:s4] =	ssyncadd.s32 $0xFFFFE0C0  }
0xa3: {  	[tilespmem:s12], [sflag:$0x1] =	stream.indirect.gather [hbm4b:s8+s14], $0x40, s1, s14, $0xb8;
	[tilespmem:$0xA8C0] =	vst v63  }
0xa4: {  	_ =	swait.ge [sflag:s16], $0x1F40  }
0xa5: {  	[sflag:s16] =	ssyncset.done $0x0  }
0xa6: {  	s1 =	rddreg [dreg:$0xf];
	[sflag:s16] =	ssyncadd.s32 $0xFFFFE0C0  }
0xa7: {  	[hbm4b:s1+s2] =	stream.linear.scatter [tilespmem:s10], [sflag:$0x7], $0x1F40, $0x38;
	[tilespmem:$0xA8C0] =	vst v63  }
0xa8: {  	_ =	swait.ge [sflag:s6], $0x1F40  }
0xa9: {  	[sflag:s6] =	ssyncset.done $0x0  }
0xaa: {  	[sflag:s6] =	ssyncadd.s32 $0xFFFFE0C0  }
0xab: {  	[tilespmem:s10], [sflag:$0x2] =	stream.indirect.gather [hbm4b:s8+s14], $0x40, s30, s14, $0xb8;
	[tilespmem:$0xA8C0] =	vst v63  }
0xac: {  	_ =	swait.ge [sflag:s17], $0x1F40  }
0xad: {  	[sflag:s17] =	ssyncset.done $0x0  }
0xae: {  	s1 =	rddreg [dreg:$0x10];
	[sflag:s17] =	ssyncadd.s32 $0xFFFFE0C0  }
0xaf: {  	[hbm4b:s1+s2] =	stream.linear.scatter [tilespmem:s9], [sflag:$0x8], $0x1F40, $0x38;
	[tilespmem:$0xA8C0] =	vst v63  }
0xb0: {  	_ =	swait.ge [sflag:s7], $0x1F40  }
0xb1: {  	[sflag:s7] =	ssyncset.done $0x0  }
0xb2: {  	[sflag:s7] =	ssyncadd.s32 $0xFFFFE0C0  }
0xb3: {  	[tilespmem:s9], [sflag:$0x3] =	stream.indirect.gather [hbm4b:s8+s14], $0x40, s29, s14, $0xb8;
	[tilespmem:$0xA8C0] =	vst v63  }
0xb4: {  	_ =	swait.ge [sflag:s18], $0x1F40  }
0xb5: {  	[sflag:s18] =	ssyncset.done $0x0  }
0xb6: {  	s1 =	rddreg [dreg:$0x11];
	[sflag:s18] =	ssyncadd.s32 $0xFFFFE0C0  }
0xb7: {  	[hbm4b:s1+s2] =	stream.linear.scatter [tilespmem:s5], [sflag:$0x9], $0x1F40, $0x38;
	[tilespmem:$0xA8C0] =	vst v63  }
0xb8: {  	_ =	swait.ge [sflag:s11], $0x1F40  }
0xb9: {  	[sflag:s11] =	ssyncset.done $0x0  }
0xba: {  	[sflag:s11] =	ssyncadd.s32 $0xFFFFE0C0  }
0xbb: {  	[tilespmem:s5], [sflag:$0x4] =	stream.indirect.gather [hbm4b:s8+s14], $0x40, s28, s14, $0xb8;
	[tilespmem:$0xA8C0] =	vst v63  }
0xbc: {  	_ =	swait.ge [sflag:s19], $0x1F40  }
0xbd: {  	[sflag:s19] =	ssyncset.done $0x0  }
0xbe: {  	s1 =	rddreg [dreg:$0x12];
	[sflag:s19] =	ssyncadd.s32 $0xFFFFE0C0  }
0xbf: {  	[hbm4b:s1+s2] =	stream.linear.scatter [tilespmem:s3], [sflag:$0xA], $0x1F40, $0x38;
	[tilespmem:$0xA8C0] =	vst v63  }
0xc0: {  	_ =	swait.ge [sflag:s13], $0x1F40  }
0xc1: {  	[sflag:s13] =	ssyncset.done $0x0  }
0xc2: {  	[sflag:s13] =	ssyncadd.s32 $0xFFFFE0C0  }
0xc3: {  	[tilespmem:s3], [sflag:$0x5] =	stream.indirect.gather [hbm4b:s8+s14], $0x40, s26, s14, $0xb8;
	[tilespmem:$0xA8C0] =	vst v63  }
0xc4: {  	_ =	swait.ge [sflag:s15], $0x1F40  }
0xc5: {  	[sflag:s15] =	ssyncset.done $0x0  }
0xc6: {  	s1 =	rddreg [dreg:$0x13];
	[sflag:s15] =	ssyncadd.s32 $0xFFFFE0C0  }
0xc7: {  	[hbm4b:s1+s2] =	stream.linear.scatter [tilespmem:s12], [sflag:$0x6], $0x1F40, $0x38;
	[tilespmem:$0xA8C0] =	vst v63  }
0xc8: {  	_ =	swait.ge [sflag:s4], $0x1F40  }
0xc9: {  	[sflag:s4] =	ssyncset.done $0x0  }
0xca: {  	[sflag:s4] =	ssyncadd.s32 $0xFFFFE0C0  }
0xcb: {  	[tilespmem:s12], [sflag:$0x1] =	stream.indirect.gather [hbm4b:s8+s14], $0x40, s25, s14, $0xb8;
	[tilespmem:$0xA8C0] =	vst v63  }
0xcc: {  	_ =	swait.ge [sflag:s16], $0x1F40  }
0xcd: {  	[sflag:s16] =	ssyncset.done $0x0  }
0xce: {  	s1 =	rddreg [dreg:$0x14];
	[sflag:s16] =	ssyncadd.s32 $0xFFFFE0C0  }
0xcf: {  	[hbm4b:s1+s2] =	stream.linear.scatter [tilespmem:s10], [sflag:$0x7], $0x1F40, $0x38;
	[tilespmem:$0xA8C0] =	vst v63  }
0xd0: {  	_ =	swait.ge [sflag:s6], $0x1F40  }
0xd1: {  	[sflag:s6] =	ssyncset.done $0x0  }
0xd2: {  	[sflag:s6] =	ssyncadd.s32 $0xFFFFE0C0  }
0xd3: {  	[tilespmem:s10], [sflag:$0x2] =	stream.indirect.gather [hbm4b:s8+s14], $0x40, s24, s14, $0xb8;
	[tilespmem:$0xA8C0] =	vst v63  }
0xd4: {  	_ =	swait.ge [sflag:s17], $0x1F40  }
0xd5: {  	[sflag:s17] =	ssyncset.done $0x0  }
0xd6: {  	s1 =	rddreg [dreg:$0x15];
	[sflag:s17] =	ssyncadd.s32 $0xFFFFE0C0  }
0xd7: {  	[hbm4b:s1+s2] =	stream.linear.scatter [tilespmem:s9], [sflag:$0x8], $0x1F40, $0x38;
	[tilespmem:$0xA8C0] =	vst v63  }
0xd8: {  	_ =	swait.ge [sflag:s7], $0x1F40  }
0xd9: {  	[sflag:s7] =	ssyncset.done $0x0  }
0xda: {  	[sflag:s7] =	ssyncadd.s32 $0xFFFFE0C0  }
0xdb: {  	[tilespmem:s9], [sflag:$0x3] =	stream.indirect.gather [hbm4b:s8+s14], $0x40, s23, s14, $0xb8;
	[tilespmem:$0xA8C0] =	vst v63  }
0xdc: {  	_ =	swait.ge [sflag:s18], $0x1F40  }
0xdd: {  	[sflag:s18] =	ssyncset.done $0x0  }
0xde: {  	s1 =	rddreg [dreg:$0x16];
	[sflag:s18] =	ssyncadd.s32 $0xFFFFE0C0  }
0xdf: {  	[hbm4b:s1+s2] =	stream.linear.scatter [tilespmem:s5], [sflag:$0x9], $0x1F40, $0x38;
	[tilespmem:$0xA8C0] =	vst v63  }
0xe0: {  	_ =	swait.ge [sflag:s11], $0x1F40  }
0xe1: {  	[sflag:s11] =	ssyncset.done $0x0  }
0xe2: {  	[sflag:s11] =	ssyncadd.s32 $0xFFFFE0C0  }
0xe3: {  	[tilespmem:s5], [sflag:$0x4] =	stream.indirect.gather [hbm4b:s8+s14], $0x40, s22, s14, $0xb8;
	[tilespmem:$0xA8C0] =	vst v63  }
0xe4: {  	_ =	swait.ge [sflag:s19], $0x1F40  }
0xe5: {  	[sflag:s19] =	ssyncset.done $0x0  }
0xe6: {  	s1 =	rddreg [dreg:$0x17];
	[sflag:s19] =	ssyncadd.s32 $0xFFFFE0C0  }
0xe7: {  	[hbm4b:s1+s2] =	stream.linear.scatter [tilespmem:s3], [sflag:$0xA], $0x1F40, $0x38;
	[tilespmem:$0xA8C0] =	vst v63  }
0xe8: {  	_ =	swait.ge [sflag:s13], $0x1F40  }
0xe9: {  	[sflag:s13] =	ssyncset.done $0x0  }
0xea: {  	[sflag:s13] =	ssyncadd.s32 $0xFFFFE0C0  }
0xeb: {  	[tilespmem:s3], [sflag:$0x5] =	stream.indirect.gather [hbm4b:s8+s14], $0x40, s21, s14, $0xb8;
	[tilespmem:$0xA8C0] =	vst v63  }
0xec: {  	_ =	swait.ge [sflag:s15], $0x1F40  }
0xed: {  	[sflag:s15] =	ssyncset.done $0x0  }
0xee: {  	s1 =	rddreg [dreg:$0x18];
	[sflag:s15] =	ssyncadd.s32 $0xFFFFE0C0  }
0xef: {  	[hbm4b:s1+s2] =	stream.linear.scatter [tilespmem:s12], [sflag:$0x6], $0x1F40, $0x38;
	[tilespmem:$0xA8C0] =	vst v63  }
0xf0: {  	_ =	swait.ge [sflag:s16], $0x1F40  }
0xf1: {  	[sflag:s16] =	ssyncset.done $0x0  }
0xf2: {  	s1 =	rddreg [dreg:$0x19];
	[sflag:s16] =	ssyncadd.s32 $0xFFFFE0C0  }
0xf3: {  	[hbm4b:s1+s2] =	stream.linear.scatter [tilespmem:s10], [sflag:$0x7], $0x1F40, $0x38;
	[tilespmem:$0xA8C0] =	vst v63  }
0xf4: {  	_ =	swait.ge [sflag:s17], $0x1F40  }
0xf5: {  	[sflag:s17] =	ssyncset.done $0x0  }
0xf6: {  	s1 =	rddreg [dreg:$0x1a];
	[sflag:s17] =	ssyncadd.s32 $0xFFFFE0C0  }
0xf7: {  	[hbm4b:s1+s2] =	stream.linear.scatter [tilespmem:s9], [sflag:$0x8], $0x1F40, $0x38;
	[tilespmem:$0xA8C0] =	vst v63  }
0xf8: {  	_ =	swait.ge [sflag:s18], $0x1F40  }
0xf9: {  	[sflag:s18] =	ssyncset.done $0x0  }
0xfa: {  	s1 =	rddreg [dreg:$0x1b];
	[sflag:s18] =	ssyncadd.s32 $0xFFFFE0C0  }
0xfb: {  	[hbm4b:s1+s2] =	stream.linear.scatter [tilespmem:s5], [sflag:$0x9], $0x1F40, $0x38;
	[tilespmem:$0xA8C0] =	vst v63  }
0xfc: {  	_ =	swait.ge [sflag:s19], $0x1F40  }
0xfd: {  	[sflag:s19] =	ssyncset.done $0x0  }
0xfe: {  	s1 =	rddreg [dreg:$0x1c];
	[sflag:s19] =	ssyncadd.s32 $0xFFFFE0C0  }
0xff: {  	[hbm4b:s1+s2] =	stream.linear.scatter [tilespmem:s3], [sflag:$0xA], $0x1F40, $0x38;
	[tilespmem:$0xA8C0] =	vst v63  }
0x100: {  	_ =	swait.ge [sflag:s4], $0x1F40  }
0x101: {  	[sflag:s4] =	ssyncset.done $0x0  }
0x102: {  	[sflag:s4] =	ssyncadd.s32 $0xFFFFE0C0  }
0x103: {  	_ =	swait.ge [sflag:s6], $0x1F40  }
0x104: {  	[sflag:s6] =	ssyncset.done $0x0  }
0x105: {  	[sflag:s6] =	ssyncadd.s32 $0xFFFFE0C0  }
0x106: {  	_ =	swait.ge [sflag:s7], $0x1F40  }
0x107: {  	[sflag:s7] =	ssyncset.done $0x0  }
0x108: {  	p1 =	sne.s32 s20, $0x1;
	[sflag:s7] =	ssyncadd.s32 $0xFFFFE0C0  }
.Ltmp1:
0x109: {  	_ =	swait.ge [sflag:s11], $0x1F40;
	(pc) =	sbr.rel @!p1 .LBB2_3-.Ltmp1, $4  }
0x10a: {  	[sflag:s11] =	ssyncset.done $0x0  }
0x10b: {  	[sflag:s11] =	ssyncadd.s32 $0xFFFFE0C0  }
0x10c: {  	p0 =	por $0x1, $0x1;
	_ =	swait.ge [sflag:s13], $0x1F40  }
0x10d: {  	s1 =	sadd.s32 $0xFFFFFFFF, s20;
	s0 =	rddreg [dreg:$0x3];
	[sflag:s13] =	ssyncset.done $0x0  }
.LBB2_4:
0x10e: {  	[sflag:s13] =	ssyncadd.s32 $0xFFFFE0C0  }
0x10f: {  	[tilespmem:s2], [sflag:$0xB] =	stream.linear.gather [hbm4b:s0+s2], $0xC80, $0x38;
	[tilespmem:$0xA8C0] =	vst v63  }
0x110: {  	_ =	swait.ge [sflag:s31], $0xC80  }
0x111: {  	[sflag:s31] =	ssyncset.done $0x0  }
0x112: {  	s0 =	rddreg [dreg:$0x1d];
	[sflag:s31] =	ssyncadd.s32 $0xFFFFF380  }
0x113: {  	[tilespmem:s12], [sflag:$0x1] =	stream.indirect.gather [hbm4b:s8+s14], $0x40, s2, s14, $0xb8;
	[tilespmem:$0xA8C0] =	vst v63  }
0x114: {  	s20 =	rddreg [dreg:$0x1e]  }
0x115: {  	[tilespmem:s10], [sflag:$0x2] =	stream.indirect.gather [hbm4b:s8+s14], $0x40, s0, s14, $0xb8;
	[tilespmem:$0xA8C0] =	vst v63  }
0x116: {  	s0 =	rddreg [dreg:$0x1f]  }
0x117: {  	[tilespmem:s9], [sflag:$0x3] =	stream.indirect.gather [hbm4b:s8+s14], $0x40, s20, s14, $0xb8;
	[tilespmem:$0xA8C0] =	vst v63  }
0x118: {  	s20 =	sld [smem:$0x7F3]  }
0x119: {  	[tilespmem:s5], [sflag:$0x4] =	stream.indirect.gather [hbm4b:s8+s14], $0x40, s0, s14, $0xb8;
	[tilespmem:$0xA8C0] =	vst v63  }
0x11a: {  	_ = 	snop  }
0x11b: {  	[tilespmem:s3], [sflag:$0x5] =	stream.indirect.gather [hbm4b:s8+s14], $0x40, s20, s14, $0xb8;
	[tilespmem:$0xA8C0] =	vst v63  }
0x11c: {  	_ =	swait.ge [sflag:s15], $0x1F40  }
0x11d: {  	[sflag:s15] =	ssyncset.done $0x0  }
0x11e: {  	s20 =	rddreg [dreg:$0x4];
	[sflag:s15] =	ssyncadd.s32 $0xFFFFE0C0  }
0x11f: {  	[hbm4b:s20+s2] =	stream.linear.scatter [tilespmem:s12], [sflag:$0x6], $0x1F40, $0x38;
	[tilespmem:$0xA8C0] =	vst v63  }
0x120: {  	_ =	swait.ge [sflag:s4], $0x1F40  }
0x121: {  	s20 =	sld [smem:$0x7F4]  }
0x122: {  	[sflag:s4] =	ssyncset.done $0x0  }
0x123: {  	[sflag:s4] =	ssyncadd.s32 $0xFFFFE0C0  }
0x124: {  	[tilespmem:s12], [sflag:$0x1] =	stream.indirect.gather [hbm4b:s8+s14], $0x40, s20, s14, $0xb8;
	[tilespmem:$0xA8C0] =	vst v63  }
0x125: {  	_ =	swait.ge [sflag:s16], $0x1F40  }
0x126: {  	[sflag:s16] =	ssyncset.done $0x0  }
0x127: {  	s20 =	rddreg [dreg:$0x5];
	[sflag:s16] =	ssyncadd.s32 $0xFFFFE0C0  }
0x128: {  	[hbm4b:s20+s2] =	stream.linear.scatter [tilespmem:s10], [sflag:$0x7], $0x1F40, $0x38;
	[tilespmem:$0xA8C0] =	vst v63  }
0x129: {  	_ =	swait.ge [sflag:s6], $0x1F40  }
0x12a: {  	s20 =	sld [smem:$0x7F5]  }
0x12b: {  	[sflag:s6] =	ssyncset.done $0x0  }
0x12c: {  	[sflag:s6] =	ssyncadd.s32 $0xFFFFE0C0  }
0x12d: {  	[tilespmem:s10], [sflag:$0x2] =	stream.indirect.gather [hbm4b:s8+s14], $0x40, s20, s14, $0xb8;
	[tilespmem:$0xA8C0] =	vst v63  }
0x12e: {  	_ =	swait.ge [sflag:s17], $0x1F40  }
0x12f: {  	[sflag:s17] =	ssyncset.done $0x0  }
0x130: {  	s20 =	rddreg [dreg:$0x6];
	[sflag:s17] =	ssyncadd.s32 $0xFFFFE0C0  }
0x131: {  	[hbm4b:s20+s2] =	stream.linear.scatter [tilespmem:s9], [sflag:$0x8], $0x1F40, $0x38;
	[tilespmem:$0xA8C0] =	vst v63  }
0x132: {  	_ =	swait.ge [sflag:s7], $0x1F40  }
0x133: {  	s20 =	sld [smem:$0x7F6]  }
0x134: {  	[sflag:s7] =	ssyncset.done $0x0  }
0x135: {  	[sflag:s7] =	ssyncadd.s32 $0xFFFFE0C0  }
0x136: {  	[tilespmem:s9], [sflag:$0x3] =	stream.indirect.gather [hbm4b:s8+s14], $0x40, s20, s14, $0xb8;
	[tilespmem:$0xA8C0] =	vst v63  }
0x137: {  	_ =	swait.ge [sflag:s18], $0x1F40  }
0x138: {  	[sflag:s18] =	ssyncset.done $0x0  }
0x139: {  	s20 =	rddreg [dreg:$0x7];
	[sflag:s18] =	ssyncadd.s32 $0xFFFFE0C0  }
0x13a: {  	[hbm4b:s20+s2] =	stream.linear.scatter [tilespmem:s5], [sflag:$0x9], $0x1F40, $0x38;
	[tilespmem:$0xA8C0] =	vst v63  }
0x13b: {  	_ =	swait.ge [sflag:s11], $0x1F40  }
0x13c: {  	s20 =	sld [smem:$0x7F7]  }
0x13d: {  	[sflag:s11] =	ssyncset.done $0x0  }
0x13e: {  	[sflag:s11] =	ssyncadd.s32 $0xFFFFE0C0  }
0x13f: {  	[tilespmem:s5], [sflag:$0x4] =	stream.indirect.gather [hbm4b:s8+s14], $0x40, s20, s14, $0xb8;
	[tilespmem:$0xA8C0] =	vst v63  }
0x140: {  	_ =	swait.ge [sflag:s19], $0x1F40  }
0x141: {  	[sflag:s19] =	ssyncset.done $0x0  }
0x142: {  	s20 =	rddreg [dreg:$0x8];
	[sflag:s19] =	ssyncadd.s32 $0xFFFFE0C0  }
0x143: {  	[hbm4b:s20+s2] =	stream.linear.scatter [tilespmem:s3], [sflag:$0xA], $0x1F40, $0x38;
	[tilespmem:$0xA8C0] =	vst v63  }
0x144: {  	_ =	swait.ge [sflag:s13], $0x1F40  }
0x145: {  	s20 =	sld [smem:$0x7F8]  }
0x146: {  	[sflag:s13] =	ssyncset.done $0x0  }
0x147: {  	[sflag:s13] =	ssyncadd.s32 $0xFFFFE0C0  }
0x148: {  	[tilespmem:s3], [sflag:$0x5] =	stream.indirect.gather [hbm4b:s8+s14], $0x40, s20, s14, $0xb8;
	[tilespmem:$0xA8C0] =	vst v63  }
0x149: {  	_ =	swait.ge [sflag:s15], $0x1F40  }
0x14a: {  	[sflag:s15] =	ssyncset.done $0x0  }
0x14b: {  	s20 =	rddreg [dreg:$0x9];
	[sflag:s15] =	ssyncadd.s32 $0xFFFFE0C0  }
0x14c: {  	[hbm4b:s20+s2] =	stream.linear.scatter [tilespmem:s12], [sflag:$0x6], $0x1F40, $0x38;
	[tilespmem:$0xA8C0] =	vst v63  }
0x14d: {  	_ =	swait.ge [sflag:s4], $0x1F40  }
0x14e: {  	s20 =	sld [smem:$0x7F9]  }
0x14f: {  	[sflag:s4] =	ssyncset.done $0x0  }
0x150: {  	[sflag:s4] =	ssyncadd.s32 $0xFFFFE0C0  }
0x151: {  	[tilespmem:s12], [sflag:$0x1] =	stream.indirect.gather [hbm4b:s8+s14], $0x40, s20, s14, $0xb8;
	[tilespmem:$0xA8C0] =	vst v63  }
0x152: {  	_ =	swait.ge [sflag:s16], $0x1F40  }
0x153: {  	[sflag:s16] =	ssyncset.done $0x0  }
0x154: {  	s20 =	rddreg [dreg:$0xa];
	[sflag:s16] =	ssyncadd.s32 $0xFFFFE0C0  }
0x155: {  	[hbm4b:s20+s2] =	stream.linear.scatter [tilespmem:s10], [sflag:$0x7], $0x1F40, $0x38;
	[tilespmem:$0xA8C0] =	vst v63  }
0x156: {  	_ =	swait.ge [sflag:s6], $0x1F40  }
0x157: {  	s20 =	sld [smem:$0x7FA]  }
0x158: {  	[sflag:s6] =	ssyncset.done $0x0  }
0x159: {  	[sflag:s6] =	ssyncadd.s32 $0xFFFFE0C0  }
0x15a: {  	[tilespmem:s10], [sflag:$0x2] =	stream.indirect.gather [hbm4b:s8+s14], $0x40, s20, s14, $0xb8;
	[tilespmem:$0xA8C0] =	vst v63  }
0x15b: {  	_ =	swait.ge [sflag:s17], $0x1F40  }
0x15c: {  	[sflag:s17] =	ssyncset.done $0x0  }
0x15d: {  	s20 =	rddreg [dreg:$0xb];
	[sflag:s17] =	ssyncadd.s32 $0xFFFFE0C0  }
0x15e: {  	[hbm4b:s20+s2] =	stream.linear.scatter [tilespmem:s9], [sflag:$0x8], $0x1F40, $0x38;
	[tilespmem:$0xA8C0] =	vst v63  }
0x15f: {  	_ =	swait.ge [sflag:s7], $0x1F40  }
0x160: {  	s20 =	sld [smem:$0x7FB]  }
0x161: {  	[sflag:s7] =	ssyncset.done $0x0  }
0x162: {  	[sflag:s7] =	ssyncadd.s32 $0xFFFFE0C0  }
0x163: {  	[tilespmem:s9], [sflag:$0x3] =	stream.indirect.gather [hbm4b:s8+s14], $0x40, s20, s14, $0xb8;
	[tilespmem:$0xA8C0] =	vst v63  }
0x164: {  	_ =	swait.ge [sflag:s18], $0x1F40  }
0x165: {  	[sflag:s18] =	ssyncset.done $0x0  }
0x166: {  	s20 =	rddreg [dreg:$0xc];
	[sflag:s18] =	ssyncadd.s32 $0xFFFFE0C0  }
0x167: {  	[hbm4b:s20+s2] =	stream.linear.scatter [tilespmem:s5], [sflag:$0x9], $0x1F40, $0x38;
	[tilespmem:$0xA8C0] =	vst v63  }
0x168: {  	_ =	swait.ge [sflag:s11], $0x1F40  }
0x169: {  	s20 =	sld [smem:$0x7FC]  }
0x16a: {  	[sflag:s11] =	ssyncset.done $0x0  }
0x16b: {  	[sflag:s11] =	ssyncadd.s32 $0xFFFFE0C0  }
0x16c: {  	[tilespmem:s5], [sflag:$0x4] =	stream.indirect.gather [hbm4b:s8+s14], $0x40, s20, s14, $0xb8;
	[tilespmem:$0xA8C0] =	vst v63  }
0x16d: {  	_ =	swait.ge [sflag:s19], $0x1F40  }
0x16e: {  	[sflag:s19] =	ssyncset.done $0x0  }
0x16f: {  	s20 =	rddreg [dreg:$0xd];
	[sflag:s19] =	ssyncadd.s32 $0xFFFFE0C0  }
0x170: {  	[hbm4b:s20+s2] =	stream.linear.scatter [tilespmem:s3], [sflag:$0xA], $0x1F40, $0x38;
	[tilespmem:$0xA8C0] =	vst v63  }
0x171: {  	_ =	swait.ge [sflag:s13], $0x1F40  }
0x172: {  	s20 =	sld [smem:$0x7FD]  }
0x173: {  	[sflag:s13] =	ssyncset.done $0x0  }
0x174: {  	[sflag:s13] =	ssyncadd.s32 $0xFFFFE0C0  }
0x175: {  	[tilespmem:s3], [sflag:$0x5] =	stream.indirect.gather [hbm4b:s8+s14], $0x40, s20, s14, $0xb8;
	[tilespmem:$0xA8C0] =	vst v63  }
0x176: {  	_ =	swait.ge [sflag:s15], $0x1F40  }
0x177: {  	[sflag:s15] =	ssyncset.done $0x0  }
0x178: {  	s20 =	rddreg [dreg:$0xe];
	[sflag:s15] =	ssyncadd.s32 $0xFFFFE0C0  }
0x179: {  	[hbm4b:s20+s2] =	stream.linear.scatter [tilespmem:s12], [sflag:$0x6], $0x1F40, $0x38;
	[tilespmem:$0xA8C0] =	vst v63  }
0x17a: {  	_ =	swait.ge [sflag:s4], $0x1F40  }
0x17b: {  	[sflag:s4] =	ssyncset.done $0x0  }
0x17c: {  	s20 =	simm.s32 $0x780;
	[sflag:s4] =	ssyncadd.s32 $0xFFFFE0C0  }
0x17d: {  	[tilespmem:s12], [sflag:$0x1] =	stream.indirect.gather [hbm4b:s8+s14], $0x40, s20, s14, $0xb8;
	[tilespmem:$0xA8C0] =	vst v63  }
0x17e: {  	_ =	swait.ge [sflag:s16], $0x1F40  }
0x17f: {  	[sflag:s16] =	ssyncset.done $0x0  }
0x180: {  	s20 =	rddreg [dreg:$0xf];
	[sflag:s16] =	ssyncadd.s32 $0xFFFFE0C0  }
0x181: {  	[hbm4b:s20+s2] =	stream.linear.scatter [tilespmem:s10], [sflag:$0x7], $0x1F40, $0x38;
	[tilespmem:$0xA8C0] =	vst v63  }
0x182: {  	_ =	swait.ge [sflag:s6], $0x1F40  }
0x183: {  	[sflag:s6] =	ssyncset.done $0x0  }
0x184: {  	[sflag:s6] =	ssyncadd.s32 $0xFFFFE0C0  }
0x185: {  	[tilespmem:s10], [sflag:$0x2] =	stream.indirect.gather [hbm4b:s8+s14], $0x40, s30, s14, $0xb8;
	[tilespmem:$0xA8C0] =	vst v63  }
0x186: {  	_ =	swait.ge [sflag:s17], $0x1F40  }
0x187: {  	[sflag:s17] =	ssyncset.done $0x0  }
0x188: {  	s20 =	rddreg [dreg:$0x10];
	[sflag:s17] =	ssyncadd.s32 $0xFFFFE0C0  }
0x189: {  	[hbm4b:s20+s2] =	stream.linear.scatter [tilespmem:s9], [sflag:$0x8], $0x1F40, $0x38;
	[tilespmem:$0xA8C0] =	vst v63  }
0x18a: {  	_ =	swait.ge [sflag:s7], $0x1F40  }
0x18b: {  	[sflag:s7] =	ssyncset.done $0x0  }
0x18c: {  	[sflag:s7] =	ssyncadd.s32 $0xFFFFE0C0  }
0x18d: {  	[tilespmem:s9], [sflag:$0x3] =	stream.indirect.gather [hbm4b:s8+s14], $0x40, s29, s14, $0xb8;
	[tilespmem:$0xA8C0] =	vst v63  }
0x18e: {  	_ =	swait.ge [sflag:s18], $0x1F40  }
0x18f: {  	[sflag:s18] =	ssyncset.done $0x0  }
0x190: {  	s20 =	rddreg [dreg:$0x11];
	[sflag:s18] =	ssyncadd.s32 $0xFFFFE0C0  }
0x191: {  	[hbm4b:s20+s2] =	stream.linear.scatter [tilespmem:s5], [sflag:$0x9], $0x1F40, $0x38;
	[tilespmem:$0xA8C0] =	vst v63  }
0x192: {  	_ =	swait.ge [sflag:s11], $0x1F40  }
0x193: {  	[sflag:s11] =	ssyncset.done $0x0  }
0x194: {  	[sflag:s11] =	ssyncadd.s32 $0xFFFFE0C0  }
0x195: {  	[tilespmem:s5], [sflag:$0x4] =	stream.indirect.gather [hbm4b:s8+s14], $0x40, s28, s14, $0xb8;
	[tilespmem:$0xA8C0] =	vst v63  }
0x196: {  	_ =	swait.ge [sflag:s19], $0x1F40  }
0x197: {  	[sflag:s19] =	ssyncset.done $0x0  }
0x198: {  	s20 =	rddreg [dreg:$0x12];
	[sflag:s19] =	ssyncadd.s32 $0xFFFFE0C0  }
0x199: {  	[hbm4b:s20+s2] =	stream.linear.scatter [tilespmem:s3], [sflag:$0xA], $0x1F40, $0x38;
	[tilespmem:$0xA8C0] =	vst v63  }
0x19a: {  	_ =	swait.ge [sflag:s13], $0x1F40  }
0x19b: {  	[sflag:s13] =	ssyncset.done $0x0  }
0x19c: {  	[sflag:s13] =	ssyncadd.s32 $0xFFFFE0C0  }
0x19d: {  	[tilespmem:s3], [sflag:$0x5] =	stream.indirect.gather [hbm4b:s8+s14], $0x40, s26, s14, $0xb8;
	[tilespmem:$0xA8C0] =	vst v63  }
0x19e: {  	_ =	swait.ge [sflag:s15], $0x1F40  }
0x19f: {  	[sflag:s15] =	ssyncset.done $0x0  }
0x1a0: {  	s20 =	rddreg [dreg:$0x13];
	[sflag:s15] =	ssyncadd.s32 $0xFFFFE0C0  }
0x1a1: {  	[hbm4b:s20+s2] =	stream.linear.scatter [tilespmem:s12], [sflag:$0x6], $0x1F40, $0x38;
	[tilespmem:$0xA8C0] =	vst v63  }
0x1a2: {  	_ =	swait.ge [sflag:s4], $0x1F40  }
0x1a3: {  	[sflag:s4] =	ssyncset.done $0x0  }
0x1a4: {  	[sflag:s4] =	ssyncadd.s32 $0xFFFFE0C0  }
0x1a5: {  	[tilespmem:s12], [sflag:$0x1] =	stream.indirect.gather [hbm4b:s8+s14], $0x40, s25, s14, $0xb8;
	[tilespmem:$0xA8C0] =	vst v63  }
0x1a6: {  	_ =	swait.ge [sflag:s16], $0x1F40  }
0x1a7: {  	[sflag:s16] =	ssyncset.done $0x0  }
0x1a8: {  	s20 =	rddreg [dreg:$0x14];
	[sflag:s16] =	ssyncadd.s32 $0xFFFFE0C0  }
0x1a9: {  	[hbm4b:s20+s2] =	stream.linear.scatter [tilespmem:s10], [sflag:$0x7], $0x1F40, $0x38;
	[tilespmem:$0xA8C0] =	vst v63  }
0x1aa: {  	_ =	swait.ge [sflag:s6], $0x1F40  }
0x1ab: {  	[sflag:s6] =	ssyncset.done $0x0  }
0x1ac: {  	[sflag:s6] =	ssyncadd.s32 $0xFFFFE0C0  }
0x1ad: {  	[tilespmem:s10], [sflag:$0x2] =	stream.indirect.gather [hbm4b:s8+s14], $0x40, s24, s14, $0xb8;
	[tilespmem:$0xA8C0] =	vst v63  }
0x1ae: {  	_ =	swait.ge [sflag:s17], $0x1F40  }
0x1af: {  	[sflag:s17] =	ssyncset.done $0x0  }
0x1b0: {  	s20 =	rddreg [dreg:$0x15];
	[sflag:s17] =	ssyncadd.s32 $0xFFFFE0C0  }
0x1b1: {  	[hbm4b:s20+s2] =	stream.linear.scatter [tilespmem:s9], [sflag:$0x8], $0x1F40, $0x38;
	[tilespmem:$0xA8C0] =	vst v63  }
0x1b2: {  	_ =	swait.ge [sflag:s7], $0x1F40  }
0x1b3: {  	[sflag:s7] =	ssyncset.done $0x0  }
0x1b4: {  	[sflag:s7] =	ssyncadd.s32 $0xFFFFE0C0  }
0x1b5: {  	[tilespmem:s9], [sflag:$0x3] =	stream.indirect.gather [hbm4b:s8+s14], $0x40, s23, s14, $0xb8;
	[tilespmem:$0xA8C0] =	vst v63  }
0x1b6: {  	_ =	swait.ge [sflag:s18], $0x1F40  }
0x1b7: {  	[sflag:s18] =	ssyncset.done $0x0  }
0x1b8: {  	s20 =	rddreg [dreg:$0x16];
	[sflag:s18] =	ssyncadd.s32 $0xFFFFE0C0  }
0x1b9: {  	[hbm4b:s20+s2] =	stream.linear.scatter [tilespmem:s5], [sflag:$0x9], $0x1F40, $0x38;
	[tilespmem:$0xA8C0] =	vst v63  }
0x1ba: {  	_ =	swait.ge [sflag:s11], $0x1F40  }
0x1bb: {  	[sflag:s11] =	ssyncset.done $0x0  }
0x1bc: {  	[sflag:s11] =	ssyncadd.s32 $0xFFFFE0C0  }
0x1bd: {  	[tilespmem:s5], [sflag:$0x4] =	stream.indirect.gather [hbm4b:s8+s14], $0x40, s22, s14, $0xb8;
	[tilespmem:$0xA8C0] =	vst v63  }
0x1be: {  	_ =	swait.ge [sflag:s19], $0x1F40  }
0x1bf: {  	[sflag:s19] =	ssyncset.done $0x0  }
0x1c0: {  	s20 =	rddreg [dreg:$0x17];
	[sflag:s19] =	ssyncadd.s32 $0xFFFFE0C0  }
0x1c1: {  	[hbm4b:s20+s2] =	stream.linear.scatter [tilespmem:s3], [sflag:$0xA], $0x1F40, $0x38;
	[tilespmem:$0xA8C0] =	vst v63  }
0x1c2: {  	_ =	swait.ge [sflag:s13], $0x1F40  }
0x1c3: {  	[sflag:s13] =	ssyncset.done $0x0  }
0x1c4: {  	[sflag:s13] =	ssyncadd.s32 $0xFFFFE0C0  }
0x1c5: {  	[tilespmem:s3], [sflag:$0x5] =	stream.indirect.gather [hbm4b:s8+s14], $0x40, s21, s14, $0xb8;
	[tilespmem:$0xA8C0] =	vst v63  }
0x1c6: {  	_ =	swait.ge [sflag:s15], $0x1F40  }
0x1c7: {  	[sflag:s15] =	ssyncset.done $0x0  }
0x1c8: {  	s20 =	rddreg [dreg:$0x18];
	[sflag:s15] =	ssyncadd.s32 $0xFFFFE0C0  }
0x1c9: {  	[hbm4b:s20+s2] =	stream.linear.scatter [tilespmem:s12], [sflag:$0x6], $0x1F40, $0x38;
	[tilespmem:$0xA8C0] =	vst v63  }
0x1ca: {  	_ =	swait.ge [sflag:s16], $0x1F40  }
0x1cb: {  	[sflag:s16] =	ssyncset.done $0x0  }
0x1cc: {  	s20 =	rddreg [dreg:$0x19];
	[sflag:s16] =	ssyncadd.s32 $0xFFFFE0C0  }
0x1cd: {  	[hbm4b:s20+s2] =	stream.linear.scatter [tilespmem:s10], [sflag:$0x7], $0x1F40, $0x38;
	[tilespmem:$0xA8C0] =	vst v63  }
0x1ce: {  	_ =	swait.ge [sflag:s17], $0x1F40  }
0x1cf: {  	[sflag:s17] =	ssyncset.done $0x0  }
0x1d0: {  	s20 =	rddreg [dreg:$0x1a];
	[sflag:s17] =	ssyncadd.s32 $0xFFFFE0C0  }
0x1d1: {  	[hbm4b:s20+s2] =	stream.linear.scatter [tilespmem:s9], [sflag:$0x8], $0x1F40, $0x38;
	[tilespmem:$0xA8C0] =	vst v63  }
0x1d2: {  	_ =	swait.ge [sflag:s18], $0x1F40  }
0x1d3: {  	[sflag:s18] =	ssyncset.done $0x0  }
0x1d4: {  	s20 =	rddreg [dreg:$0x1b];
	[sflag:s18] =	ssyncadd.s32 $0xFFFFE0C0  }
0x1d5: {  	[hbm4b:s20+s2] =	stream.linear.scatter [tilespmem:s5], [sflag:$0x9], $0x1F40, $0x38;
	[tilespmem:$0xA8C0] =	vst v63  }
0x1d6: {  	_ =	swait.ge [sflag:s19], $0x1F40  }
0x1d7: {  	[sflag:s19] =	ssyncset.done $0x0  }
0x1d8: {  	s20 =	rddreg [dreg:$0x1c];
	[sflag:s19] =	ssyncadd.s32 $0xFFFFE0C0  }
0x1d9: {  	[hbm4b:s20+s2] =	stream.linear.scatter [tilespmem:s3], [sflag:$0xA], $0x1F40, $0x38;
	[tilespmem:$0xA8C0] =	vst v63  }
0x1da: {  	_ =	swait.ge [sflag:s4], $0x1F40  }
0x1db: {  	[sflag:s4] =	ssyncset.done $0x0  }
0x1dc: {  	[sflag:s4] =	ssyncadd.s32 $0xFFFFE0C0  }
0x1dd: {  	_ =	swait.ge [sflag:s6], $0x1F40  }
0x1de: {  	[sflag:s6] =	ssyncset.done $0x0  }
0x1df: {  	[sflag:s6] =	ssyncadd.s32 $0xFFFFE0C0  }
0x1e0: {  	_ =	swait.ge [sflag:s7], $0x1F40  }
0x1e1: {  	[sflag:s7] =	ssyncset.done $0x0  }
0x1e2: {  	p1 =	sne.s32 s1, $0x1;
	[sflag:s7] =	ssyncadd.s32 $0xFFFFE0C0  }
.Ltmp2:
0x1e3: {  	_ =	swait.ge [sflag:s11], $0x1F40;
	(pc) =	sbr.rel @p1 .LBB2_4-.Ltmp2, $4  }
0x1e4: {  	[sflag:s11] =	ssyncset.done $0x0  }
0x1e5: {  	[sflag:s11] =	ssyncadd.s32 $0xFFFFE0C0  }
0x1e6: {  	_ =	swait.ge [sflag:s13], $0x1F40  }
0x1e7: {  	s1 =	sadd.s32 $0xFFFFFFFF, s1;
	s0 =	rddreg [dreg:$0x3];
	[sflag:s13] =	ssyncset.done $0x0  }
0x1e8: {  	s21 =	simm.s32 $0x780  }
0x1e9: {  	s30 =	simm.s32 $0x800;
	s29 =	simm.s32 $0x880;
	s28 =	simm.s32 $0x900  }
0x1ea: {  	s26 =	simm.s32 $0x980;
	s25 =	simm.s32 $0xA00;
	s24 =	simm.s32 $0xA80  }
0x1eb: {  	s23 =	simm.s32 $0xB00;
	s22 =	simm.s32 $0xB80;
	s20 =	stileid.u32  }
.LBB2_6:
0x1ec: {  	[sflag:s13] =	ssyncadd.s32 @p0 $0xFFFFE0C0  }
0x1ed: {  	[tilespmem:s2], [sflag:$0xB] =	stream.linear.gather [hbm4b:s0+s2], $0xC80, $0x38;
	[tilespmem:$0xA8C0] =	vst v63  }
0x1ee: {  	_ =	swait.ge [sflag:s31], $0xC80  }
0x1ef: {  	[sflag:s31] =	ssyncset.done $0x0  }
0x1f0: {  	s1 =	rddreg [dreg:$0x1e];
	[sflag:s31] =	ssyncadd.s32 $0xFFFFF380  }
0x1f1: {  	[tilespmem:s12], [sflag:$0x1] =	stream.indirect.gather [hbm4b:s8+s14], $0x40, s2, s14, $0xb8;
	[tilespmem:$0xA8C0] =	vst v63  }
0x1f2: {  	s31 =	rddreg [dreg:$0x1d]  }
0x1f3: {  	[tilespmem:s10], [sflag:$0x2] =	stream.indirect.gather [hbm4b:s8+s14], $0x40, s31, s14, $0xb8;
	[tilespmem:$0xA8C0] =	vst v63  }
0x1f4: {  	s0 =	rddreg [dreg:$0x1f]  }
0x1f5: {  	[tilespmem:s9], [sflag:$0x3] =	stream.indirect.gather [hbm4b:s8+s14], $0x40, s1, s14, $0xb8;
	[tilespmem:$0xA8C0] =	vst v63  }
0x1f6: {  	s31 =	sld [smem:$0x7F3]  }
0x1f7: {  	[tilespmem:s5], [sflag:$0x4] =	stream.indirect.gather [hbm4b:s8+s14], $0x40, s0, s14, $0xb8;
	[tilespmem:$0xA8C0] =	vst v63  }
0x1f8: {  	_ = 	snop  }
0x1f9: {  	[tilespmem:s3], [sflag:$0x5] =	stream.indirect.gather [hbm4b:s8+s14], $0x40, s31, s14, $0xb8;
	[tilespmem:$0xA8C0] =	vst v63  }
0x1fa: {  	_ =	swait.ge [sflag:s15], $0x1F40  }
0x1fb: {  	[sflag:s15] =	ssyncset.done $0x0  }
0x1fc: {  	s31 =	rddreg [dreg:$0x4];
	[sflag:s15] =	ssyncadd.s32 $0xFFFFE0C0  }
0x1fd: {  	[hbm4b:s31+s2] =	stream.linear.scatter [tilespmem:s12], [sflag:$0x6], $0x1F40, $0x38;
	[tilespmem:$0xA8C0] =	vst v63  }
0x1fe: {  	_ =	swait.ge [sflag:s4], $0x1F40  }
0x1ff: {  	s1 =	sld [smem:$0x7F4]  }
0x200: {  	[sflag:s4] =	ssyncset.done $0x0  }
0x201: {  	[sflag:s4] =	ssyncadd.s32 $0xFFFFE0C0  }
0x202: {  	[tilespmem:s12], [sflag:$0x1] =	stream.indirect.gather [hbm4b:s8+s14], $0x40, s1, s14, $0xb8;
	[tilespmem:$0xA8C0] =	vst v63  }
0x203: {  	_ =	swait.ge [sflag:s16], $0x1F40  }
0x204: {  	[sflag:s16] =	ssyncset.done $0x0  }
0x205: {  	s31 =	rddreg [dreg:$0x5];
	[sflag:s16] =	ssyncadd.s32 $0xFFFFE0C0  }
0x206: {  	[hbm4b:s31+s2] =	stream.linear.scatter [tilespmem:s10], [sflag:$0x7], $0x1F40, $0x38;
	[tilespmem:$0xA8C0] =	vst v63  }
0x207: {  	_ =	swait.ge [sflag:s6], $0x1F40  }
0x208: {  	s1 =	sld [smem:$0x7F5]  }
0x209: {  	[sflag:s6] =	ssyncset.done $0x0  }
0x20a: {  	[sflag:s6] =	ssyncadd.s32 $0xFFFFE0C0  }
0x20b: {  	[tilespmem:s10], [sflag:$0x2] =	stream.indirect.gather [hbm4b:s8+s14], $0x40, s1, s14, $0xb8;
	[tilespmem:$0xA8C0] =	vst v63  }
0x20c: {  	_ =	swait.ge [sflag:s17], $0x1F40  }
0x20d: {  	[sflag:s17] =	ssyncset.done $0x0  }
0x20e: {  	s31 =	rddreg [dreg:$0x6];
	[sflag:s17] =	ssyncadd.s32 $0xFFFFE0C0  }
0x20f: {  	[hbm4b:s31+s2] =	stream.linear.scatter [tilespmem:s9], [sflag:$0x8], $0x1F40, $0x38;
	[tilespmem:$0xA8C0] =	vst v63  }
0x210: {  	_ =	swait.ge [sflag:s7], $0x1F40  }
0x211: {  	s1 =	sld [smem:$0x7F6]  }
0x212: {  	[sflag:s7] =	ssyncset.done $0x0  }
0x213: {  	[sflag:s7] =	ssyncadd.s32 $0xFFFFE0C0  }
0x214: {  	[tilespmem:s9], [sflag:$0x3] =	stream.indirect.gather [hbm4b:s8+s14], $0x40, s1, s14, $0xb8;
	[tilespmem:$0xA8C0] =	vst v63  }
0x215: {  	_ =	swait.ge [sflag:s18], $0x1F40  }
0x216: {  	[sflag:s18] =	ssyncset.done $0x0  }
0x217: {  	s31 =	rddreg [dreg:$0x7];
	[sflag:s18] =	ssyncadd.s32 $0xFFFFE0C0  }
0x218: {  	[hbm4b:s31+s2] =	stream.linear.scatter [tilespmem:s5], [sflag:$0x9], $0x1F40, $0x38;
	[tilespmem:$0xA8C0] =	vst v63  }
0x219: {  	_ =	swait.ge [sflag:s11], $0x1F40  }
0x21a: {  	s1 =	sld [smem:$0x7F7]  }
0x21b: {  	[sflag:s11] =	ssyncset.done $0x0  }
0x21c: {  	[sflag:s11] =	ssyncadd.s32 $0xFFFFE0C0  }
0x21d: {  	[tilespmem:s5], [sflag:$0x4] =	stream.indirect.gather [hbm4b:s8+s14], $0x40, s1, s14, $0xb8;
	[tilespmem:$0xA8C0] =	vst v63  }
0x21e: {  	_ =	swait.ge [sflag:s19], $0x1F40  }
0x21f: {  	[sflag:s19] =	ssyncset.done $0x0  }
0x220: {  	s31 =	rddreg [dreg:$0x8];
	[sflag:s19] =	ssyncadd.s32 $0xFFFFE0C0  }
0x221: {  	[hbm4b:s31+s2] =	stream.linear.scatter [tilespmem:s3], [sflag:$0xA], $0x1F40, $0x38;
	[tilespmem:$0xA8C0] =	vst v63  }
0x222: {  	_ =	swait.ge [sflag:s13], $0x1F40  }
0x223: {  	s1 =	sld [smem:$0x7F8]  }
0x224: {  	[sflag:s13] =	ssyncset.done $0x0  }
0x225: {  	[sflag:s13] =	ssyncadd.s32 $0xFFFFE0C0  }
0x226: {  	[tilespmem:s3], [sflag:$0x5] =	stream.indirect.gather [hbm4b:s8+s14], $0x40, s1, s14, $0xb8;
	[tilespmem:$0xA8C0] =	vst v63  }
0x227: {  	_ =	swait.ge [sflag:s15], $0x1F40  }
0x228: {  	[sflag:s15] =	ssyncset.done $0x0  }
0x229: {  	s31 =	rddreg [dreg:$0x9];
	[sflag:s15] =	ssyncadd.s32 $0xFFFFE0C0  }
0x22a: {  	[hbm4b:s31+s2] =	stream.linear.scatter [tilespmem:s12], [sflag:$0x6], $0x1F40, $0x38;
	[tilespmem:$0xA8C0] =	vst v63  }
0x22b: {  	_ =	swait.ge [sflag:s4], $0x1F40  }
0x22c: {  	s1 =	sld [smem:$0x7F9]  }
0x22d: {  	[sflag:s4] =	ssyncset.done $0x0  }
0x22e: {  	[sflag:s4] =	ssyncadd.s32 $0xFFFFE0C0  }
0x22f: {  	[tilespmem:s12], [sflag:$0x1] =	stream.indirect.gather [hbm4b:s8+s14], $0x40, s1, s14, $0xb8;
	[tilespmem:$0xA8C0] =	vst v63  }
0x230: {  	_ =	swait.ge [sflag:s16], $0x1F40  }
0x231: {  	[sflag:s16] =	ssyncset.done $0x0  }
0x232: {  	s31 =	rddreg [dreg:$0xa];
	[sflag:s16] =	ssyncadd.s32 $0xFFFFE0C0  }
0x233: {  	[hbm4b:s31+s2] =	stream.linear.scatter [tilespmem:s10], [sflag:$0x7], $0x1F40, $0x38;
	[tilespmem:$0xA8C0] =	vst v63  }
0x234: {  	_ =	swait.ge [sflag:s6], $0x1F40  }
0x235: {  	s1 =	sld [smem:$0x7FA]  }
0x236: {  	[sflag:s6] =	ssyncset.done $0x0  }
0x237: {  	[sflag:s6] =	ssyncadd.s32 $0xFFFFE0C0  }
0x238: {  	[tilespmem:s10], [sflag:$0x2] =	stream.indirect.gather [hbm4b:s8+s14], $0x40, s1, s14, $0xb8;
	[tilespmem:$0xA8C0] =	vst v63  }
0x239: {  	_ =	swait.ge [sflag:s17], $0x1F40  }
0x23a: {  	[sflag:s17] =	ssyncset.done $0x0  }
0x23b: {  	s31 =	rddreg [dreg:$0xb];
	[sflag:s17] =	ssyncadd.s32 $0xFFFFE0C0  }
0x23c: {  	[hbm4b:s31+s2] =	stream.linear.scatter [tilespmem:s9], [sflag:$0x8], $0x1F40, $0x38;
	[tilespmem:$0xA8C0] =	vst v63  }
0x23d: {  	_ =	swait.ge [sflag:s7], $0x1F40  }
0x23e: {  	s1 =	sld [smem:$0x7FB]  }
0x23f: {  	[sflag:s7] =	ssyncset.done $0x0  }
0x240: {  	[sflag:s7] =	ssyncadd.s32 $0xFFFFE0C0  }
0x241: {  	[tilespmem:s9], [sflag:$0x3] =	stream.indirect.gather [hbm4b:s8+s14], $0x40, s1, s14, $0xb8;
	[tilespmem:$0xA8C0] =	vst v63  }
0x242: {  	_ =	swait.ge [sflag:s18], $0x1F40  }
0x243: {  	[sflag:s18] =	ssyncset.done $0x0  }
0x244: {  	s31 =	rddreg [dreg:$0xc];
	[sflag:s18] =	ssyncadd.s32 $0xFFFFE0C0  }
0x245: {  	[hbm4b:s31+s2] =	stream.linear.scatter [tilespmem:s5], [sflag:$0x9], $0x1F40, $0x38;
	[tilespmem:$0xA8C0] =	vst v63  }
0x246: {  	_ =	swait.ge [sflag:s11], $0x1F40  }
0x247: {  	s1 =	sld [smem:$0x7FC]  }
0x248: {  	[sflag:s11] =	ssyncset.done $0x0  }
0x249: {  	[sflag:s11] =	ssyncadd.s32 $0xFFFFE0C0  }
0x24a: {  	[tilespmem:s5], [sflag:$0x4] =	stream.indirect.gather [hbm4b:s8+s14], $0x40, s1, s14, $0xb8;
	[tilespmem:$0xA8C0] =	vst v63  }
0x24b: {  	_ =	swait.ge [sflag:s19], $0x1F40  }
0x24c: {  	[sflag:s19] =	ssyncset.done $0x0  }
0x24d: {  	s31 =	rddreg [dreg:$0xd];
	[sflag:s19] =	ssyncadd.s32 $0xFFFFE0C0  }
0x24e: {  	[hbm4b:s31+s2] =	stream.linear.scatter [tilespmem:s3], [sflag:$0xA], $0x1F40, $0x38;
	[tilespmem:$0xA8C0] =	vst v63  }
0x24f: {  	_ =	swait.ge [sflag:s13], $0x1F40  }
0x250: {  	s1 =	sld [smem:$0x7FD]  }
0x251: {  	[sflag:s13] =	ssyncset.done $0x0  }
0x252: {  	[sflag:s13] =	ssyncadd.s32 $0xFFFFE0C0  }
0x253: {  	[tilespmem:s3], [sflag:$0x5] =	stream.indirect.gather [hbm4b:s8+s14], $0x40, s1, s14, $0xb8;
	[tilespmem:$0xA8C0] =	vst v63  }
0x254: {  	_ =	swait.ge [sflag:s15], $0x1F40  }
0x255: {  	[sflag:s15] =	ssyncset.done $0x0  }
0x256: {  	s31 =	rddreg [dreg:$0xe];
	[sflag:s15] =	ssyncadd.s32 $0xFFFFE0C0  }
0x257: {  	[hbm4b:s31+s2] =	stream.linear.scatter [tilespmem:s12], [sflag:$0x6], $0x1F40, $0x38;
	[tilespmem:$0xA8C0] =	vst v63  }
0x258: {  	_ =	swait.ge [sflag:s4], $0x1F40  }
0x259: {  	[sflag:s4] =	ssyncset.done $0x0  }
0x25a: {  	[sflag:s4] =	ssyncadd.s32 $0xFFFFE0C0  }
0x25b: {  	[tilespmem:s12], [sflag:$0x1] =	stream.indirect.gather [hbm4b:s8+s14], $0x40, s21, s14, $0xb8;
	[tilespmem:$0xA8C0] =	vst v63  }
0x25c: {  	_ =	swait.ge [sflag:s16], $0x1F40  }
0x25d: {  	[sflag:s16] =	ssyncset.done $0x0  }
0x25e: {  	s1 =	rddreg [dreg:$0xf];
	[sflag:s16] =	ssyncadd.s32 $0xFFFFE0C0  }
0x25f: {  	[hbm4b:s1+s2] =	stream.linear.scatter [tilespmem:s10], [sflag:$0x7], $0x1F40, $0x38;
	[tilespmem:$0xA8C0] =	vst v63  }
0x260: {  	_ =	swait.ge [sflag:s6], $0x1F40  }
0x261: {  	[sflag:s6] =	ssyncset.done $0x0  }
0x262: {  	[sflag:s6] =	ssyncadd.s32 $0xFFFFE0C0  }
0x263: {  	[tilespmem:s10], [sflag:$0x2] =	stream.indirect.gather [hbm4b:s8+s14], $0x40, s30, s14, $0xb8;
	[tilespmem:$0xA8C0] =	vst v63  }
0x264: {  	_ =	swait.ge [sflag:s17], $0x1F40  }
0x265: {  	[sflag:s17] =	ssyncset.done $0x0  }
0x266: {  	s21 =	rddreg [dreg:$0x10];
	[sflag:s17] =	ssyncadd.s32 $0xFFFFE0C0  }
0x267: {  	[hbm4b:s21+s2] =	stream.linear.scatter [tilespmem:s9], [sflag:$0x8], $0x1F40, $0x38;
	[tilespmem:$0xA8C0] =	vst v63  }
0x268: {  	_ =	swait.ge [sflag:s7], $0x1F40  }
0x269: {  	[sflag:s7] =	ssyncset.done $0x0  }
0x26a: {  	[sflag:s7] =	ssyncadd.s32 $0xFFFFE0C0  }
0x26b: {  	[tilespmem:s9], [sflag:$0x3] =	stream.indirect.gather [hbm4b:s8+s14], $0x40, s29, s14, $0xb8;
	[tilespmem:$0xA8C0] =	vst v63  }
0x26c: {  	_ =	swait.ge [sflag:s18], $0x1F40  }
0x26d: {  	[sflag:s18] =	ssyncset.done $0x0  }
0x26e: {  	s29 =	rddreg [dreg:$0x11];
	[sflag:s18] =	ssyncadd.s32 $0xFFFFE0C0  }
0x26f: {  	[hbm4b:s29+s2] =	stream.linear.scatter [tilespmem:s5], [sflag:$0x9], $0x1F40, $0x38;
	[tilespmem:$0xA8C0] =	vst v63  }
0x270: {  	_ =	swait.ge [sflag:s11], $0x1F40  }
0x271: {  	[sflag:s11] =	ssyncset.done $0x0  }
0x272: {  	[sflag:s11] =	ssyncadd.s32 $0xFFFFE0C0  }
0x273: {  	[tilespmem:s5], [sflag:$0x4] =	stream.indirect.gather [hbm4b:s8+s14], $0x40, s28, s14, $0xb8;
	[tilespmem:$0xA8C0] =	vst v63  }
0x274: {  	_ =	swait.ge [sflag:s19], $0x1F40  }
0x275: {  	[sflag:s19] =	ssyncset.done $0x0  }
0x276: {  	s30 =	rddreg [dreg:$0x12];
	[sflag:s19] =	ssyncadd.s32 $0xFFFFE0C0  }
0x277: {  	[hbm4b:s30+s2] =	stream.linear.scatter [tilespmem:s3], [sflag:$0xA], $0x1F40, $0x38;
	[tilespmem:$0xA8C0] =	vst v63  }
0x278: {  	_ =	swait.ge [sflag:s13], $0x1F40  }
0x279: {  	[sflag:s13] =	ssyncset.done $0x0  }
0x27a: {  	[sflag:s13] =	ssyncadd.s32 $0xFFFFE0C0  }
0x27b: {  	[tilespmem:s3], [sflag:$0x5] =	stream.indirect.gather [hbm4b:s8+s14], $0x40, s26, s14, $0xb8;
	[tilespmem:$0xA8C0] =	vst v63  }
0x27c: {  	_ =	swait.ge [sflag:s15], $0x1F40  }
0x27d: {  	[sflag:s15] =	ssyncset.done $0x0  }
0x27e: {  	s31 =	rddreg [dreg:$0x13];
	[sflag:s15] =	ssyncadd.s32 $0xFFFFE0C0  }
0x27f: {  	[hbm4b:s31+s2] =	stream.linear.scatter [tilespmem:s12], [sflag:$0x6], $0x1F40, $0x38;
	[tilespmem:$0xA8C0] =	vst v63  }
0x280: {  	_ =	swait.ge [sflag:s4], $0x1F40  }
0x281: {  	[sflag:s4] =	ssyncset.done $0x0  }
0x282: {  	[sflag:s4] =	ssyncadd.s32 $0xFFFFE0C0  }
0x283: {  	[tilespmem:s12], [sflag:$0x1] =	stream.indirect.gather [hbm4b:s8+s14], $0x40, s25, s14, $0xb8;
	[tilespmem:$0xA8C0] =	vst v63  }
0x284: {  	_ =	swait.ge [sflag:s16], $0x1F40  }
0x285: {  	[sflag:s16] =	ssyncset.done $0x0  }
0x286: {  	s1 =	rddreg [dreg:$0x14];
	[sflag:s16] =	ssyncadd.s32 $0xFFFFE0C0  }
0x287: {  	[hbm4b:s1+s2] =	stream.linear.scatter [tilespmem:s10], [sflag:$0x7], $0x1F40, $0x38;
	[tilespmem:$0xA8C0] =	vst v63  }
0x288: {  	_ =	swait.ge [sflag:s6], $0x1F40  }
0x289: {  	[sflag:s6] =	ssyncset.done $0x0  }
0x28a: {  	[sflag:s6] =	ssyncadd.s32 $0xFFFFE0C0  }
0x28b: {  	[tilespmem:s10], [sflag:$0x2] =	stream.indirect.gather [hbm4b:s8+s14], $0x40, s24, s14, $0xb8;
	[tilespmem:$0xA8C0] =	vst v63  }
0x28c: {  	_ =	swait.ge [sflag:s17], $0x1F40  }
0x28d: {  	[sflag:s17] =	ssyncset.done $0x0  }
0x28e: {  	s21 =	rddreg [dreg:$0x15];
	[sflag:s17] =	ssyncadd.s32 $0xFFFFE0C0  }
0x28f: {  	[hbm4b:s21+s2] =	stream.linear.scatter [tilespmem:s9], [sflag:$0x8], $0x1F40, $0x38;
	[tilespmem:$0xA8C0] =	vst v63  }
0x290: {  	_ =	swait.ge [sflag:s7], $0x1F40  }
0x291: {  	[sflag:s7] =	ssyncset.done $0x0  }
0x292: {  	[sflag:s7] =	ssyncadd.s32 $0xFFFFE0C0  }
0x293: {  	[tilespmem:s9], [sflag:$0x3] =	stream.indirect.gather [hbm4b:s8+s14], $0x40, s23, s14, $0xb8;
	[tilespmem:$0xA8C0] =	vst v63  }
0x294: {  	_ =	swait.ge [sflag:s18], $0x1F40  }
0x295: {  	[sflag:s18] =	ssyncset.done $0x0  }
0x296: {  	s23 =	rddreg [dreg:$0x16];
	[sflag:s18] =	ssyncadd.s32 $0xFFFFE0C0  }
0x297: {  	[hbm4b:s23+s2] =	stream.linear.scatter [tilespmem:s5], [sflag:$0x9], $0x1F40, $0x38;
	[tilespmem:$0xA8C0] =	vst v63  }
0x298: {  	_ =	swait.ge [sflag:s11], $0x1F40  }
0x299: {  	[sflag:s11] =	ssyncset.done $0x0  }
0x29a: {  	[sflag:s11] =	ssyncadd.s32 $0xFFFFE0C0  }
0x29b: {  	[tilespmem:s5], [sflag:$0x4] =	stream.indirect.gather [hbm4b:s8+s14], $0x40, s22, s14, $0xb8;
	[tilespmem:$0xA8C0] =	vst v63  }
0x29c: {  	_ =	swait.ge [sflag:s19], $0x1F40  }
0x29d: {  	[sflag:s19] =	ssyncset.done $0x0  }
0x29e: {  	s24 =	rddreg [dreg:$0x17];
	[sflag:s19] =	ssyncadd.s32 $0xFFFFE0C0  }
0x29f: {  	[hbm4b:s24+s2] =	stream.linear.scatter [tilespmem:s3], [sflag:$0xA], $0x1F40, $0x38;
	[tilespmem:$0xA8C0] =	vst v63  }
0x2a0: {  	_ =	swait.ge [sflag:s13], $0x1F40  }
0x2a1: {  	[sflag:s13] =	ssyncset.done $0x0  }
0x2a2: {  	s25 =	simm.s32 $0xC00;
	[sflag:s13] =	ssyncadd.s32 $0xFFFFE0C0  }
0x2a3: {  	[tilespmem:s3], [sflag:$0x5] =	stream.indirect.gather [hbm4b:s8+s14], $0x40, s25, s14, $0xb8;
	[tilespmem:$0xA8C0] =	vst v63  }
0x2a4: {  	_ =	swait.ge [sflag:s15], $0x1F40  }
0x2a5: {  	[sflag:s15] =	ssyncset.done $0x0  }
0x2a6: {  	s26 =	rddreg [dreg:$0x18];
	[sflag:s15] =	ssyncadd.s32 $0xFFFFE0C0  }
0x2a7: {  	[hbm4b:s26+s2] =	stream.linear.scatter [tilespmem:s12], [sflag:$0x6], $0x1F40, $0x38;
	[tilespmem:$0xA8C0] =	vst v63  }
0x2a8: {  	_ =	swait.ge [sflag:s16], $0x1F40  }
0x2a9: {  	[sflag:s16] =	ssyncset.done $0x0  }
0x2aa: {  	s28 =	rddreg [dreg:$0x19];
	[sflag:s16] =	ssyncadd.s32 $0xFFFFE0C0  }
0x2ab: {  	[hbm4b:s28+s2] =	stream.linear.scatter [tilespmem:s10], [sflag:$0x7], $0x1F40, $0x38;
	[tilespmem:$0xA8C0] =	vst v63  }
0x2ac: {  	_ =	swait.ge [sflag:s17], $0x1F40  }
0x2ad: {  	[sflag:s17] =	ssyncset.done $0x0  }
0x2ae: {  	s29 =	rddreg [dreg:$0x1a];
	[sflag:s17] =	ssyncadd.s32 $0xFFFFE0C0  }
0x2af: {  	[hbm4b:s29+s2] =	stream.linear.scatter [tilespmem:s9], [sflag:$0x8], $0x1F40, $0x38;
	[tilespmem:$0xA8C0] =	vst v63  }
0x2b0: {  	_ =	swait.ge [sflag:s18], $0x1F40  }
0x2b1: {  	[sflag:s18] =	ssyncset.done $0x0  }
0x2b2: {  	s30 =	rddreg [dreg:$0x1b];
	[sflag:s18] =	ssyncadd.s32 $0xFFFFE0C0  }
0x2b3: {  	[hbm4b:s30+s2] =	stream.linear.scatter [tilespmem:s5], [sflag:$0x9], $0x1F40, $0x38;
	[tilespmem:$0xA8C0] =	vst v63  }
0x2b4: {  	_ =	swait.ge [sflag:s19], $0x1F40  }
0x2b5: {  	[sflag:s19] =	ssyncset.done $0x0  }
0x2b6: {  	s31 =	rddreg [dreg:$0x1c];
	[sflag:s19] =	ssyncadd.s32 $0xFFFFE0C0  }
0x2b7: {  	[hbm4b:s31+s2] =	stream.linear.scatter [tilespmem:s3], [sflag:$0xA], $0x1F40, $0x38;
	[tilespmem:$0xA8C0] =	vst v63  }
0x2b8: {  	_ =	swait.ge [sflag:s4], $0x1F40  }
0x2b9: {  	[sflag:s4] =	ssyncset.done $0x0  }
0x2ba: {  	[sflag:s4] =	ssyncadd.s32 $0xFFFFE0C0  }
0x2bb: {  	_ =	swait.ge [sflag:s6], $0x1F40  }
0x2bc: {  	[sflag:s6] =	ssyncset.done $0x0  }
0x2bd: {  	[sflag:s6] =	ssyncadd.s32 $0xFFFFE0C0  }
0x2be: {  	_ =	swait.ge [sflag:s7], $0x1F40  }
0x2bf: {  	[sflag:s7] =	ssyncset.done $0x0  }
0x2c0: {  	[sflag:s7] =	ssyncadd.s32 $0xFFFFE0C0  }
0x2c1: {  	_ =	swait.ge [sflag:s11], $0x1F40  }
0x2c2: {  	[sflag:s11] =	ssyncset.done $0x0  }
0x2c3: {  	[sflag:s11] =	ssyncadd.s32 $0xFFFFE0C0  }
0x2c4: {  	_ =	swait.ge [sflag:s13], $0x1F40  }
0x2c5: {  	[sflag:s13] =	ssyncset.done $0x0  }
0x2c6: {  	[sflag:s13] =	ssyncadd.s32 $0xFFFFE0C0  }
0x2c7: {  	_ =	sfence.sel $0x180000  }
0x2c8: {  	[bflag:$0x0] =	sbarrier.arrive $0xFFFF  }
0x2c9: {  	_ =	strace $0x90000047  }
0x2ca: {  	[bflag:$0x2] =	sbarrier.arrive $0xFFFF  }
0x2cb: {  	p0 =	sne.s32 s20, $0x0;
	s0 =	rddreg [dreg:$0x2]  }
0x2cc: {  	s0 =	sadd.s32 @!p0 $0x100000, s0  }
0x2cd: {  	[sflag:s0] =	ssyncadd.tile.s32 @!p0 $0x1;
	_ =	shalt  }
.LBB2_1:
.Ltmp3:
0x2ce: {  	(pc) =	sbr.rel .LBB2_6-.Ltmp3, $4  }
0x2cf: {  	_ = 	snop  }
0x2d0: {  	s21 =	simm.s32 $0x780;
	s30 =	simm.s32 $0x800;
	s29 =	simm.s32 $0x880  }
0x2d1: {  	s28 =	simm.s32 $0x900;
	s26 =	simm.s32 $0x980;
	s25 =	simm.s32 $0xA00  }
0x2d2: {  	s24 =	simm.s32 $0xA80;
	s23 =	simm.s32 $0xB00;
	s22 =	simm.s32 $0xB80  }
.LBB2_3:
.Ltmp4:
0x2d3: {  	(pc) =	sbr.rel .LBB2_6-.Ltmp4, $4  }
0x2d4: {  	s21 =	simm.s32 $0x780  }
0x2d5: {  	s30 =	simm.s32 $0x800;
	s29 =	simm.s32 $0x880;
	s28 =	simm.s32 $0x900  }
0x2d6: {  	s26 =	simm.s32 $0x980;
	s25 =	simm.s32 $0xA00;
	s24 =	simm.s32 $0xA80  }
0x2d7: {  	s23 =	simm.s32 $0xB00;
	s22 =	simm.s32 $0xB80;
	s20 =	stileid.u32  }
.Lfunc_end2:
_tile_overlayer_lowered:
.L_overlay_start_2:
0x2d8: {  	(tag) =	ssettag $0x2  }
0x2d9: {  	s0 =	rddreg [dreg:$0x0];
	s2 =	stileid.u32  }
0x2da: {  	s1 =	rddreg [dreg:$0x1];
	p0 =	sne.s32 s2, $0x0  }
0x2db: {  	s3 =	rddreg [dreg:$0x2];
	[bflag:$0x3] =	sbarrier.arrive $0xFFFF;
	s2 =	simm.s32 @!p0 $0x1C0B  }
0x2dc: {  	[timem:s3], [sflag:s2] =	dma.local @!p0 [hbm:s0], s1  }
0x2dd: {  	s0 =	simm.s32 @!p0 $0xB  }
0x2de: {  	_ =	swait.ge @!p0 [sflag:s0], s1  }
0x2df: {  	s1 =	ssub.s32 @!p0 $0x0, s1;
	[sflag:s0] =	ssyncset.done @!p0 $0x0  }
0x2e0: {  	[sflag:s0] =	ssyncadd.s32 @!p0 s1  }
0x2e1: {  	[bflag:$0x3] =	sbarrier.arrive $0xFFFF  }
0x2e2: {  	_ =	shalt  }

</sc_bundles>
